<compile_context>
chip_gen: v7x
topology: tpu7x:2x2x1
jax: 0.10.2.dev20260603
libtpu: 0.0.44.dev20260713+nightly
codegen_flags: <defaults>
</compile_context>

<pallas_src>
import functools

import jax
import jax.numpy as jnp
from jax import lax
from jax.experimental import pallas as pl
from jax.experimental.pallas import tpu as pltpu
from jax.experimental.pallas import tpu_sc as plsc

B = 4
T = 2048
D = 1024
LANES = 16

_info = plsc.get_sparse_core_info()
NC = _info.num_cores
NS = _info.num_subcores
NW = NC * NS
TPW = T // NW
CH = 8
NCHUNK = TPW // CH
NGEN = 3
PF = NGEN - 1
NSUPER = NCHUNK // NGEN
NTAIL = NCHUNK - NSUPER * NGEN


def _sc_kernel(x_hbm, tok_hbm, pos_hbm, out_hbm,
               idxc_v, tok_v, pos_v, gsem, psem, osem):
    wid = lax.axis_index("s") * NC + lax.axis_index("c")
    t0 = wid * TPW

    pltpu.sync_copy(x_hbm.at[wid], idxc_v)

    def pos_copy(c, gen):
        return pltpu.make_async_copy(pos_hbm.at[pl.ds(t0 + c * CH, CH)],
                                     pos_v.at[gen], psem.at[gen])

    def tok_copy(c, gen):
        return pltpu.make_async_copy(tok_hbm.at[idxc_v.at[c]],
                                     tok_v.at[gen], gsem.at[gen])

    def out_copy(c, gen, b):
        return pltpu.make_async_copy(tok_v.at[gen, pl.ds(b * CH, CH)],
                                     out_hbm.at[b, pl.ds(t0 + c * CH, CH)],
                                     osem.at[gen])

    def start_chunk(c, gen):
        pos_copy(c, gen).start()
        tok_copy(c, gen).start()

    def drain_out(c, gen):
        for b in range(B):
            out_copy(c, gen, b).wait()

    for c0 in range(PF):
        start_chunk(c0, c0)

    def chunk_body(c, carry):
        gen = c % NGEN
        nxt = (c + PF) % NGEN

        @pl.when((c >= 1) & (c + PF < NCHUNK))
        def _():
            drain_out(c - 1, nxt)

        @pl.when(c + PF < NCHUNK)
        def _():
            start_chunk(c + PF, nxt)

        pos_copy(c, gen).wait()
        tok_copy(c, gen).wait()

        @plsc.parallel_loop(0, D // LANES, step=1, unroll=2)
        def _add(k):
            for r in range(CH):
                vp = pos_v[gen, r, pl.ds(k * LANES, LANES)]
                for b in range(B):
                    plsc.addupdate(
                        tok_v.at[gen, b * CH + r, pl.ds(k * LANES, LANES)],
                        vp)

        for b in range(B):
            out_copy(c, gen, b).start()
        return carry

    lax.fori_loop(0, NCHUNK, chunk_body, 0)

    for c in range(NCHUNK - NGEN, NCHUNK):
        drain_out(c, c % NGEN)


@jax.jit
def kernel(x, token_table, pos_table):
    mesh = plsc.VectorSubcoreMesh(core_axis_name="c", subcore_axis_name="s")
    k = functools.partial(
        pl.kernel,
        mesh=mesh,
        out_type=jax.ShapeDtypeStruct((B, T, D), jnp.float32),
        scratch_types=[
            pltpu.VMEM((NCHUNK, B * CH), jnp.int32),
            pltpu.VMEM((NGEN, B * CH, D), jnp.float32),
            pltpu.VMEM((NGEN, CH, D), jnp.float32),
            pltpu.SemaphoreType.DMA((NGEN,)),
            pltpu.SemaphoreType.DMA((NGEN,)),
            pltpu.SemaphoreType.DMA((NGEN,)),
        ],
    )(_sc_kernel)
    xc = (x.reshape(B, NW, NCHUNK, CH)
           .transpose(1, 2, 0, 3)
           .reshape(NW, NCHUNK, B * CH))
    return k(xc, token_table, pos_table)

# --- scband reference (transcript-rebuilt; emitter-appended) ---
"""Pipeline reference for scband-token-positional-embedding-70411693851133 (READ-ONLY COPY).

The authoritative reference and input builder live on the scoring server;
editing this copy changes nothing except your own understanding.
"""

import jax, jax.numpy as jnp
import numpy as np

VOCAB = 100000
D_MODEL = 1024
MAX_LEN = 2048
B = 4
T = 2048

def setup_inputs(seed: int = 0) -> dict:
    key = jax.random.key(seed)
    k1, k2, k3 = jax.random.split(key, 3)
    x = jax.random.randint(k1, (B, T), 0, VOCAB, dtype=jnp.int64 if jax.config.jax_enable_x64 else jnp.int32).astype(jnp.int32)
    token_table = jax.random.normal(k2, (VOCAB, D_MODEL), dtype=jnp.float32) * 0.02
    pos_table = jax.random.normal(k3, (MAX_LEN, D_MODEL), dtype=jnp.float32) * 0.02
    return {"x": x, "token_table": token_table, "pos_table": pos_table}

def reference(x, token_table, pos_table):
    b, t = x.shape
    pos = jnp.arange(t, dtype=x.dtype)
    tok_emb = jnp.take(token_table, x, axis=0)              # [b, t, d]
    pos_emb = jnp.take(pos_table, pos, axis=0)[None, :, :]  # [1, t, d]
    out = tok_emb + pos_emb                                  # broadcast over b
    # dropout p=0.0 -> identity
    return out

if __name__ == "__main__":
    import jax
    _d = setup_inputs()
    print(jax.jit(kernel)(*tuple(_d.values())))

</pallas_src>

<mosaic_0001>
#map = affine_map<(d0, d1) -> (0, 0, 0)>
#map1 = affine_map<(d0, d1) -> (0, 0)>
module attributes {stable_mosaic.version = 14 : i64} {
  func.func @_sc_kernel(%arg0: i32, %arg1: i32, %arg2: memref<32x8x32xi32, #tpu.memory_space<hbm>>, %arg3: memref<100000x1024xf32, #tpu.memory_space<hbm>>, %arg4: memref<2048x1024xf32, #tpu.memory_space<hbm>>, %arg5: memref<4x2048x1024xf32, #tpu.memory_space<hbm>>, %arg6: memref<8x32xi32, #tpu.memory_space<vmem>>, %arg7: memref<3x32x1024xf32, #tpu.memory_space<vmem>>, %arg8: memref<3x8x1024xf32, #tpu.memory_space<vmem>>, %arg9: memref<3x!tpu.dma_semaphore, #tpu.memory_space<semaphore_mem>>, %arg10: memref<3x!tpu.dma_semaphore, #tpu.memory_space<semaphore_mem>>, %arg11: memref<3x!tpu.dma_semaphore, #tpu.memory_space<semaphore_mem>>) attributes {dimension_semantics = [#tpu.dimension_semantics<core_parallel>, #tpu.dimension_semantics<subcore_parallel>], iteration_bounds = array<i64: 2, 16>, scalar_prefetch = 0 : i64, scratch_operands = 6 : i64, tpu.core_type = #tpu.core_type<sc_vector_subcore>, window_params = [{transform_indices = #map}, {transform_indices = #map1}, {transform_indices = #map1}, {transform_indices = #map}]} {
    %mul3A = arith.constant 2 : i32
    %mul3A_0 = arith.muli %arg1, %mul3A : i32
    %add3A = arith.addi %mul3A_0, %arg0 : i32
    %mul3A_1 = arith.constant 64 : i32
    %mul3A_2 = arith.muli %add3A, %mul3A_1 : i32
    "tpu.region"() ({
      %run_scoped3A = tpu.sem_alloc : memref<!tpu.dma_semaphore, #tpu.memory_space<semaphore_mem>>
      %dma_start3A_324 = arith.constant 0 : i32
      %dma_start3A_325 = arith.constant 0 : i32
      %dma_start3A_326 = tpu.memref_slice %arg2[%add3A, %dma_start3A_324, %dma_start3A_325] : memref<32x8x32xi32, #tpu.memory_space<hbm>> -> memref<1x8x32xi32, #tpu.memory_space<hbm>>
      %dma_start3A_327 = tpu.memref_squeeze %dma_start3A_326 : memref<1x8x32xi32, #tpu.memory_space<hbm>> -> memref<8x32xi32, #tpu.memory_space<hbm>>
      %dma_start3A_328 = arith.constant 0 : i32
      %dma_start3A_329 = arith.constant 0 : i32
      %dma_start3A_330 = tpu.memref_slice %arg2[%add3A, %dma_start3A_328, %dma_start3A_329] : memref<32x8x32xi32, #tpu.memory_space<hbm>> -> memref<1x8x32xi32, #tpu.memory_space<hbm>>
      %dma_start3A_331 = tpu.memref_squeeze %dma_start3A_330 : memref<1x8x32xi32, #tpu.memory_space<hbm>> -> memref<8x32xi32, #tpu.memory_space<hbm>>
      tpu.enqueue_dma source(%dma_start3A_331 : memref<8x32xi32, #tpu.memory_space<hbm>>) target(%arg6 : memref<8x32xi32, #tpu.memory_space<vmem>>) target_semaphore(%run_scoped3A : memref<!tpu.dma_semaphore, #tpu.memory_space<semaphore_mem>>)
      %dma_wait3A_332 = arith.constant 0 : i32
      %dma_wait3A_333 = arith.constant 0 : i32
      %dma_wait3A_334 = tpu.memref_slice %arg2[%add3A, %dma_wait3A_332, %dma_wait3A_333] : memref<32x8x32xi32, #tpu.memory_space<hbm>> -> memref<1x8x32xi32, #tpu.memory_space<hbm>>
      %dma_wait3A_335 = tpu.memref_squeeze %dma_wait3A_334 : memref<1x8x32xi32, #tpu.memory_space<hbm>> -> memref<8x32xi32, #tpu.memory_space<hbm>>
      %dma_wait3A_336 = arith.constant 0 : i32
      %dma_wait3A_337 = arith.constant 0 : i32
      %dma_wait3A_338 = tpu.memref_slice %arg2[%add3A, %dma_wait3A_336, %dma_wait3A_337] : memref<32x8x32xi32, #tpu.memory_space<hbm>> -> memref<1x8x32xi32, #tpu.memory_space<hbm>>
      %dma_wait3A_339 = tpu.memref_squeeze %dma_wait3A_338 : memref<1x8x32xi32, #tpu.memory_space<hbm>> -> memref<8x32xi32, #tpu.memory_space<hbm>>
      tpu.wait_dma2 semaphore(%run_scoped3A : memref<!tpu.dma_semaphore, #tpu.memory_space<semaphore_mem>>) src(%dma_wait3A_339 : memref<8x32xi32, #tpu.memory_space<hbm>>) dst(%arg6 : memref<8x32xi32, #tpu.memory_space<vmem>>)
      tpu.yield
    }) : () -> ()
    %add3A_3 = arith.constant 0 : i32
    %add3A_4 = arith.addi %mul3A_2, %add3A_3 : i32
    %dma_start3A = arith.constant 0 : i32
    %dma_start3A_5 = arith.constant 0 : i32
    %dma_start3A_6 = arith.constant 0 : i32
    %dma_start3A_7 = arith.constant 0 : i32
    %dma_start3A_8 = tpu.memref_slice %arg8[%dma_start3A, %dma_start3A_6, %dma_start3A_7] : memref<3x8x1024xf32, #tpu.memory_space<vmem>> -> memref<1x8x1024xf32, #tpu.memory_space<vmem>>
    %dma_start3A_9 = tpu.memref_squeeze %dma_start3A_8 : memref<1x8x1024xf32, #tpu.memory_space<vmem>> -> memref<8x1024xf32, #tpu.memory_space<vmem>>
    %dma_start3A_10 = arith.constant 0 : i32
    %dma_start3A_11 = tpu.memref_slice %arg4[%add3A_4, %dma_start3A_10] : memref<2048x1024xf32, #tpu.memory_space<hbm>> -> memref<8x1024xf32, #tpu.memory_space<hbm>>
    %dma_start3A_12 = tpu.memref_slice %arg10[%dma_start3A_5] : memref<3x!tpu.dma_semaphore, #tpu.memory_space<semaphore_mem>> -> memref<1x!tpu.dma_semaphore, #tpu.memory_space<semaphore_mem>>
    %dma_start3A_13 = tpu.memref_squeeze %dma_start3A_12 : memref<1x!tpu.dma_semaphore, #tpu.memory_space<semaphore_mem>> -> memref<!tpu.dma_semaphore, #tpu.memory_space<semaphore_mem>>
    %dma_start3A_14 = arith.constant 0 : i32
    %dma_start3A_15 = arith.constant 0 : i32
    %dma_start3A_16 = tpu.memref_slice %arg8[%dma_start3A, %dma_start3A_14, %dma_start3A_15] : memref<3x8x1024xf32, #tpu.memory_space<vmem>> -> memref<1x8x1024xf32, #tpu.memory_space<vmem>>
    %dma_start3A_17 = tpu.memref_squeeze %dma_start3A_16 : memref<1x8x1024xf32, #tpu.memory_space<vmem>> -> memref<8x1024xf32, #tpu.memory_space<vmem>>
    %dma_start3A_18 = arith.constant 0 : i32
    %dma_start3A_19 = tpu.memref_slice %arg4[%add3A_4, %dma_start3A_18] : memref<2048x1024xf32, #tpu.memory_space<hbm>> -> memref<8x1024xf32, #tpu.memory_space<hbm>>
    tpu.enqueue_dma source(%dma_start3A_19 : memref<8x1024xf32, #tpu.memory_space<hbm>>) target(%dma_start3A_17 : memref<8x1024xf32, #tpu.memory_space<vmem>>) target_semaphore(%dma_start3A_13 : memref<!tpu.dma_semaphore, #tpu.memory_space<semaphore_mem>>)
    %dma_start3A_20 = arith.constant 0 : i32
    %dma_start3A_21 = arith.constant 0 : i32
    %dma_start3A_22 = arith.constant 0 : i32
    %dma_start3A_23 = arith.constant 0 : i32
    %dma_start3A_24 = arith.constant 0 : i32
    %dma_start3A_25 = tpu.memref_slice %arg7[%dma_start3A_21, %dma_start3A_23, %dma_start3A_24] : memref<3x32x1024xf32, #tpu.memory_space<vmem>> -> memref<1x32x1024xf32, #tpu.memory_space<vmem>>
    %dma_start3A_26 = tpu.memref_squeeze %dma_start3A_25 : memref<1x32x1024xf32, #tpu.memory_space<vmem>> -> memref<32x1024xf32, #tpu.memory_space<vmem>>
    %dma_start3A_27 = arith.constant 0 : i32
    %dma_start3A_28 = tpu.memref_slice %arg6[%dma_start3A_20, %dma_start3A_27] : memref<8x32xi32, #tpu.memory_space<vmem>> -> memref<1x32xi32, #tpu.memory_space<vmem>>
    %dma_start3A_29 = tpu.memref_squeeze %dma_start3A_28 : memref<1x32xi32, #tpu.memory_space<vmem>> -> memref<32xi32, #tpu.memory_space<vmem>>
    %dma_start3A_30 = arith.constant 0 : i32
    %dma_start3A_31 = arith.constant 0 : i32
    %dma_start3A_32 = tpu.memref_slice %arg3[%dma_start3A_30, %dma_start3A_31] : memref<100000x1024xf32, #tpu.memory_space<hbm>> -> memref<100000x1024xf32, #tpu.memory_space<hbm>>
    %dma_start3A_33 = tpu.memref_slice %arg9[%dma_start3A_22] : memref<3x!tpu.dma_semaphore, #tpu.memory_space<semaphore_mem>> -> memref<1x!tpu.dma_semaphore, #tpu.memory_space<semaphore_mem>>
    %dma_start3A_34 = tpu.memref_squeeze %dma_start3A_33 : memref<1x!tpu.dma_semaphore, #tpu.memory_space<semaphore_mem>> -> memref<!tpu.dma_semaphore, #tpu.memory_space<semaphore_mem>>
    tpu.enqueue_indirect_dma source(%dma_start3A_32 : memref<100000x1024xf32, #tpu.memory_space<hbm>>) target(%dma_start3A_26 : memref<32x1024xf32, #tpu.memory_space<vmem>>) offsets(%dma_start3A_29 : memref<32xi32, #tpu.memory_space<vmem>>) semaphore(%dma_start3A_34 : memref<!tpu.dma_semaphore, #tpu.memory_space<semaphore_mem>>)
    %add3A_35 = arith.constant 8 : i32
    %add3A_36 = arith.addi %mul3A_2, %add3A_35 : i32
    %dma_start3A_37 = arith.constant 1 : i32
    %dma_start3A_38 = arith.constant 1 : i32
    %dma_start3A_39 = arith.constant 0 : i32
    %dma_start3A_40 = arith.constant 0 : i32
    %dma_start3A_41 = tpu.memref_slice %arg8[%dma_start3A_37, %dma_start3A_39, %dma_start3A_40] : memref<3x8x1024xf32, #tpu.memory_space<vmem>> -> memref<1x8x1024xf32, #tpu.memory_space<vmem>>
    %dma_start3A_42 = tpu.memref_squeeze %dma_start3A_41 : memref<1x8x1024xf32, #tpu.memory_space<vmem>> -> memref<8x1024xf32, #tpu.memory_space<vmem>>
    %dma_start3A_43 = arith.constant 0 : i32
    %dma_start3A_44 = tpu.memref_slice %arg4[%add3A_36, %dma_start3A_43] : memref<2048x1024xf32, #tpu.memory_space<hbm>> -> memref<8x1024xf32, #tpu.memory_space<hbm>>
    %dma_start3A_45 = tpu.memref_slice %arg10[%dma_start3A_38] : memref<3x!tpu.dma_semaphore, #tpu.memory_space<semaphore_mem>> -> memref<1x!tpu.dma_semaphore, #tpu.memory_space<semaphore_mem>>
    %dma_start3A_46 = tpu.memref_squeeze %dma_start3A_45 : memref<1x!tpu.dma_semaphore, #tpu.memory_space<semaphore_mem>> -> memref<!tpu.dma_semaphore, #tpu.memory_space<semaphore_mem>>
    %dma_start3A_47 = arith.constant 0 : i32
    %dma_start3A_48 = arith.constant 0 : i32
    %dma_start3A_49 = tpu.memref_slice %arg8[%dma_start3A_37, %dma_start3A_47, %dma_start3A_48] : memref<3x8x1024xf32, #tpu.memory_space<vmem>> -> memref<1x8x1024xf32, #tpu.memory_space<vmem>>
    %dma_start3A_50 = tpu.memref_squeeze %dma_start3A_49 : memref<1x8x1024xf32, #tpu.memory_space<vmem>> -> memref<8x1024xf32, #tpu.memory_space<vmem>>
    %dma_start3A_51 = arith.constant 0 : i32
    %dma_start3A_52 = tpu.memref_slice %arg4[%add3A_36, %dma_start3A_51] : memref<2048x1024xf32, #tpu.memory_space<hbm>> -> memref<8x1024xf32, #tpu.memory_space<hbm>>
    tpu.enqueue_dma source(%dma_start3A_52 : memref<8x1024xf32, #tpu.memory_space<hbm>>) target(%dma_start3A_50 : memref<8x1024xf32, #tpu.memory_space<vmem>>) target_semaphore(%dma_start3A_46 : memref<!tpu.dma_semaphore, #tpu.memory_space<semaphore_mem>>)
    %dma_start3A_53 = arith.constant 1 : i32
    %dma_start3A_54 = arith.constant 1 : i32
    %dma_start3A_55 = arith.constant 1 : i32
    %dma_start3A_56 = arith.constant 0 : i32
    %dma_start3A_57 = arith.constant 0 : i32
    %dma_start3A_58 = tpu.memref_slice %arg7[%dma_start3A_54, %dma_start3A_56, %dma_start3A_57] : memref<3x32x1024xf32, #tpu.memory_space<vmem>> -> memref<1x32x1024xf32, #tpu.memory_space<vmem>>
    %dma_start3A_59 = tpu.memref_squeeze %dma_start3A_58 : memref<1x32x1024xf32, #tpu.memory_space<vmem>> -> memref<32x1024xf32, #tpu.memory_space<vmem>>
    %dma_start3A_60 = arith.constant 0 : i32
    %dma_start3A_61 = tpu.memref_slice %arg6[%dma_start3A_53, %dma_start3A_60] : memref<8x32xi32, #tpu.memory_space<vmem>> -> memref<1x32xi32, #tpu.memory_space<vmem>>
    %dma_start3A_62 = tpu.memref_squeeze %dma_start3A_61 : memref<1x32xi32, #tpu.memory_space<vmem>> -> memref<32xi32, #tpu.memory_space<vmem>>
    %dma_start3A_63 = arith.constant 0 : i32
    %dma_start3A_64 = arith.constant 0 : i32
    %dma_start3A_65 = tpu.memref_slice %arg3[%dma_start3A_63, %dma_start3A_64] : memref<100000x1024xf32, #tpu.memory_space<hbm>> -> memref<100000x1024xf32, #tpu.memory_space<hbm>>
    %dma_start3A_66 = tpu.memref_slice %arg9[%dma_start3A_55] : memref<3x!tpu.dma_semaphore, #tpu.memory_space<semaphore_mem>> -> memref<1x!tpu.dma_semaphore, #tpu.memory_space<semaphore_mem>>
    %dma_start3A_67 = tpu.memref_squeeze %dma_start3A_66 : memref<1x!tpu.dma_semaphore, #tpu.memory_space<semaphore_mem>> -> memref<!tpu.dma_semaphore, #tpu.memory_space<semaphore_mem>>
    tpu.enqueue_indirect_dma source(%dma_start3A_65 : memref<100000x1024xf32, #tpu.memory_space<hbm>>) target(%dma_start3A_59 : memref<32x1024xf32, #tpu.memory_space<vmem>>) offsets(%dma_start3A_62 : memref<32xi32, #tpu.memory_space<vmem>>) semaphore(%dma_start3A_67 : memref<!tpu.dma_semaphore, #tpu.memory_space<semaphore_mem>>)
    %scan3A = arith.constant 0 : i32
    %scan3A_68 = arith.constant 0 : i32
    %scan3A_69 = arith.constant 8 : i32
    %scan3A_70 = arith.addi %scan3A_68, %scan3A_69 : i32
    %scan3A_71 = arith.constant 1 : i32
    scf.for %scan3A_324 = %scan3A_68 to %scan3A_70 step %scan3A_71  : i32 {
      %jit3A = arith.constant 3 : i32
      %eq3A = arith.constant 0 : i32
      %eq3A_325 = arith.cmpi eq, %jit3A, %eq3A : i32
      %jit3A_326 = arith.constant 1 : i32
      %select_n3A = arith.select %eq3A_325, %jit3A_326, %jit3A : i32
      %rem3A = arith.remsi %scan3A_324, %select_n3A : i32
      %ne3A = arith.constant 0 : i32
      %ne3A_327 = arith.cmpi ne, %rem3A, %ne3A : i32
      %lt3A = arith.constant 0 : i32
      %lt3A_328 = arith.cmpi slt, %rem3A, %lt3A : i32
      %lt3A_329 = arith.constant 0 : i32
      %lt3A_330 = arith.cmpi slt, %select_n3A, %lt3A_329 : i32
      %ne3A_331 = arith.xori %lt3A_328, %lt3A_330 : i1
      %and3A = arith.andi %ne3A_331, %ne3A_327 : i1
      %add3A_332 = arith.addi %rem3A, %select_n3A : i32
      %select_n3A_333 = arith.select %and3A, %add3A_332, %rem3A : i32
      %add3A_334 = arith.constant 2 : i32
      %add3A_335 = arith.addi %scan3A_324, %add3A_334 : i32
      %jit3A_336 = arith.constant 3 : i32
      %eq3A_337 = arith.constant 0 : i32
      %eq3A_338 = arith.cmpi eq, %jit3A_336, %eq3A_337 : i32
      %jit3A_339 = arith.constant 1 : i32
      %select_n3A_340 = arith.select %eq3A_338, %jit3A_339, %jit3A_336 : i32
      %rem3A_341 = arith.remsi %add3A_335, %select_n3A_340 : i32
      %ne3A_342 = arith.constant 0 : i32
      %ne3A_343 = arith.cmpi ne, %rem3A_341, %ne3A_342 : i32
      %lt3A_344 = arith.constant 0 : i32
      %lt3A_345 = arith.cmpi slt, %rem3A_341, %lt3A_344 : i32
      %lt3A_346 = arith.constant 0 : i32
      %lt3A_347 = arith.cmpi slt, %select_n3A_340, %lt3A_346 : i32
      %ne3A_348 = arith.xori %lt3A_345, %lt3A_347 : i1
      %and3A_349 = arith.andi %ne3A_348, %ne3A_343 : i1
      %add3A_350 = arith.addi %rem3A_341, %select_n3A_340 : i32
      %select_n3A_351 = arith.select %and3A_349, %add3A_350, %rem3A_341 : i32
      %ge3A = arith.constant 1 : i32
      %ge3A_352 = arith.cmpi sge, %scan3A_324, %ge3A : i32
      %add3A_353 = arith.constant 2 : i32
      %add3A_354 = arith.addi %scan3A_324, %add3A_353 : i32
      %lt3A_355 = arith.constant 8 : i32
      %lt3A_356 = arith.cmpi slt, %add3A_354, %lt3A_355 : i32
      %and3A_357 = arith.andi %ge3A_352, %lt3A_356 : i1
      %convert_element_type3A = arith.extui %and3A_357 : i1 to i32
      %cond3A = arith.constant 0 : i32
      %cond3A_358 = arith.cmpi ne, %convert_element_type3A, %cond3A : i32
      scf.if %cond3A_358 {
        %sub3A = arith.constant 1 : i32
        %sub3A_477 = arith.subi %scan3A_324, %sub3A : i32
        %mul3A_478 = arith.constant 8 : i32
        %mul3A_479 = arith.muli %sub3A_477, %mul3A_478 : i32
        %add3A_480 = arith.addi %mul3A_2, %mul3A_479 : i32
        %dma_wait3A_481 = arith.constant 0 : i32
        %dma_wait3A_482 = arith.constant 0 : i32
        %dma_wait3A_483 = arith.constant 0 : i32
        %dma_wait3A_484 = tpu.memref_slice %arg7[%select_n3A_351, %dma_wait3A_482, %dma_wait3A_483] : memref<3x32x1024xf32, #tpu.memory_space<vmem>> -> memref<1x8x1024xf32, #tpu.memory_space<vmem>>
        %dma_wait3A_485 = tpu.memref_squeeze %dma_wait3A_484 : memref<1x8x1024xf32, #tpu.memory_space<vmem>> -> memref<8x1024xf32, #tpu.memory_space<vmem>>
        %dma_wait3A_486 = arith.constant 0 : i32
        %dma_wait3A_487 = tpu.memref_slice %arg5[%dma_wait3A_481, %add3A_480, %dma_wait3A_486] : memref<4x2048x1024xf32, #tpu.memory_space<hbm>> -> memref<1x8x1024xf32, #tpu.memory_space<hbm>>
        %dma_wait3A_488 = tpu.memref_squeeze %dma_wait3A_487 : memref<1x8x1024xf32, #tpu.memory_space<hbm>> -> memref<8x1024xf32, #tpu.memory_space<hbm>>
        %dma_wait3A_489 = tpu.memref_slice %arg11[%select_n3A_351] : memref<3x!tpu.dma_semaphore, #tpu.memory_space<semaphore_mem>> -> memref<1x!tpu.dma_semaphore, #tpu.memory_space<semaphore_mem>>
        %dma_wait3A_490 = tpu.memref_squeeze %dma_wait3A_489 : memref<1x!tpu.dma_semaphore, #tpu.memory_space<semaphore_mem>> -> memref<!tpu.dma_semaphore, #tpu.memory_space<semaphore_mem>>
        %dma_wait3A_491 = arith.constant 0 : i32
        %dma_wait3A_492 = tpu.memref_slice %arg5[%dma_wait3A_481, %add3A_480, %dma_wait3A_491] : memref<4x2048x1024xf32, #tpu.memory_space<hbm>> -> memref<1x8x1024xf32, #tpu.memory_space<hbm>>
        %dma_wait3A_493 = tpu.memref_squeeze %dma_wait3A_492 : memref<1x8x1024xf32, #tpu.memory_space<hbm>> -> memref<8x1024xf32, #tpu.memory_space<hbm>>
        %dma_wait3A_494 = arith.constant 0 : i32
        %dma_wait3A_495 = arith.constant 0 : i32
        %dma_wait3A_496 = tpu.memref_slice %arg7[%select_n3A_351, %dma_wait3A_494, %dma_wait3A_495] : memref<3x32x1024xf32, #tpu.memory_space<vmem>> -> memref<1x8x1024xf32, #tpu.memory_space<vmem>>
        %dma_wait3A_497 = tpu.memref_squeeze %dma_wait3A_496 : memref<1x8x1024xf32, #tpu.memory_space<vmem>> -> memref<8x1024xf32, #tpu.memory_space<vmem>>
        tpu.wait_dma2 semaphore(%dma_wait3A_490 : memref<!tpu.dma_semaphore, #tpu.memory_space<semaphore_mem>>) src(%dma_wait3A_497 : memref<8x1024xf32, #tpu.memory_space<vmem>>) dst(%dma_wait3A_493 : memref<8x1024xf32, #tpu.memory_space<hbm>>)
        %mul3A_498 = arith.constant 8 : i32
        %mul3A_499 = arith.muli %sub3A_477, %mul3A_498 : i32
        %add3A_500 = arith.addi %mul3A_2, %mul3A_499 : i32
        %dma_wait3A_501 = arith.constant 1 : i32
        %dma_wait3A_502 = arith.constant 8 : i32
        %dma_wait3A_503 = arith.constant 0 : i32
        %dma_wait3A_504 = tpu.memref_slice %arg7[%select_n3A_351, %dma_wait3A_502, %dma_wait3A_503] : memref<3x32x1024xf32, #tpu.memory_space<vmem>> -> memref<1x8x1024xf32, #tpu.memory_space<vmem>>
        %dma_wait3A_505 = tpu.memref_squeeze %dma_wait3A_504 : memref<1x8x1024xf32, #tpu.memory_space<vmem>> -> memref<8x1024xf32, #tpu.memory_space<vmem>>
        %dma_wait3A_506 = arith.constant 0 : i32
        %dma_wait3A_507 = tpu.memref_slice %arg5[%dma_wait3A_501, %add3A_500, %dma_wait3A_506] : memref<4x2048x1024xf32, #tpu.memory_space<hbm>> -> memref<1x8x1024xf32, #tpu.memory_space<hbm>>
        %dma_wait3A_508 = tpu.memref_squeeze %dma_wait3A_507 : memref<1x8x1024xf32, #tpu.memory_space<hbm>> -> memref<8x1024xf32, #tpu.memory_space<hbm>>
        %dma_wait3A_509 = tpu.memref_slice %arg11[%select_n3A_351] : memref<3x!tpu.dma_semaphore, #tpu.memory_space<semaphore_mem>> -> memref<1x!tpu.dma_semaphore, #tpu.memory_space<semaphore_mem>>
        %dma_wait3A_510 = tpu.memref_squeeze %dma_wait3A_509 : memref<1x!tpu.dma_semaphore, #tpu.memory_space<semaphore_mem>> -> memref<!tpu.dma_semaphore, #tpu.memory_space<semaphore_mem>>
        %dma_wait3A_511 = arith.constant 0 : i32
        %dma_wait3A_512 = tpu.memref_slice %arg5[%dma_wait3A_501, %add3A_500, %dma_wait3A_511] : memref<4x2048x1024xf32, #tpu.memory_space<hbm>> -> memref<1x8x1024xf32, #tpu.memory_space<hbm>>
        %dma_wait3A_513 = tpu.memref_squeeze %dma_wait3A_512 : memref<1x8x1024xf32, #tpu.memory_space<hbm>> -> memref<8x1024xf32, #tpu.memory_space<hbm>>
        %dma_wait3A_514 = arith.constant 8 : i32
        %dma_wait3A_515 = arith.constant 0 : i32
        %dma_wait3A_516 = tpu.memref_slice %arg7[%select_n3A_351, %dma_wait3A_514, %dma_wait3A_515] : memref<3x32x1024xf32, #tpu.memory_space<vmem>> -> memref<1x8x1024xf32, #tpu.memory_space<vmem>>
        %dma_wait3A_517 = tpu.memref_squeeze %dma_wait3A_516 : memref<1x8x1024xf32, #tpu.memory_space<vmem>> -> memref<8x1024xf32, #tpu.memory_space<vmem>>
        tpu.wait_dma2 semaphore(%dma_wait3A_510 : memref<!tpu.dma_semaphore, #tpu.memory_space<semaphore_mem>>) src(%dma_wait3A_517 : memref<8x1024xf32, #tpu.memory_space<vmem>>) dst(%dma_wait3A_513 : memref<8x1024xf32, #tpu.memory_space<hbm>>)
        %mul3A_518 = arith.constant 8 : i32
        %mul3A_519 = arith.muli %sub3A_477, %mul3A_518 : i32
        %add3A_520 = arith.addi %mul3A_2, %mul3A_519 : i32
        %dma_wait3A_521 = arith.constant 2 : i32
        %dma_wait3A_522 = arith.constant 16 : i32
        %dma_wait3A_523 = arith.constant 0 : i32
        %dma_wait3A_524 = tpu.memref_slice %arg7[%select_n3A_351, %dma_wait3A_522, %dma_wait3A_523] : memref<3x32x1024xf32, #tpu.memory_space<vmem>> -> memref<1x8x1024xf32, #tpu.memory_space<vmem>>
        %dma_wait3A_525 = tpu.memref_squeeze %dma_wait3A_524 : memref<1x8x1024xf32, #tpu.memory_space<vmem>> -> memref<8x1024xf32, #tpu.memory_space<vmem>>
        %dma_wait3A_526 = arith.constant 0 : i32
        %dma_wait3A_527 = tpu.memref_slice %arg5[%dma_wait3A_521, %add3A_520, %dma_wait3A_526] : memref<4x2048x1024xf32, #tpu.memory_space<hbm>> -> memref<1x8x1024xf32, #tpu.memory_space<hbm>>
        %dma_wait3A_528 = tpu.memref_squeeze %dma_wait3A_527 : memref<1x8x1024xf32, #tpu.memory_space<hbm>> -> memref<8x1024xf32, #tpu.memory_space<hbm>>
        %dma_wait3A_529 = tpu.memref_slice %arg11[%select_n3A_351] : memref<3x!tpu.dma_semaphore, #tpu.memory_space<semaphore_mem>> -> memref<1x!tpu.dma_semaphore, #tpu.memory_space<semaphore_mem>>
        %dma_wait3A_530 = tpu.memref_squeeze %dma_wait3A_529 : memref<1x!tpu.dma_semaphore, #tpu.memory_space<semaphore_mem>> -> memref<!tpu.dma_semaphore, #tpu.memory_space<semaphore_mem>>
        %dma_wait3A_531 = arith.constant 0 : i32
        %dma_wait3A_532 = tpu.memref_slice %arg5[%dma_wait3A_521, %add3A_520, %dma_wait3A_531] : memref<4x2048x1024xf32, #tpu.memory_space<hbm>> -> memref<1x8x1024xf32, #tpu.memory_space<hbm>>
        %dma_wait3A_533 = tpu.memref_squeeze %dma_wait3A_532 : memref<1x8x1024xf32, #tpu.memory_space<hbm>> -> memref<8x1024xf32, #tpu.memory_space<hbm>>
        %dma_wait3A_534 = arith.constant 16 : i32
        %dma_wait3A_535 = arith.constant 0 : i32
        %dma_wait3A_536 = tpu.memref_slice %arg7[%select_n3A_351, %dma_wait3A_534, %dma_wait3A_535] : memref<3x32x1024xf32, #tpu.memory_space<vmem>> -> memref<1x8x1024xf32, #tpu.memory_space<vmem>>
        %dma_wait3A_537 = tpu.memref_squeeze %dma_wait3A_536 : memref<1x8x1024xf32, #tpu.memory_space<vmem>> -> memref<8x1024xf32, #tpu.memory_space<vmem>>
        tpu.wait_dma2 semaphore(%dma_wait3A_530 : memref<!tpu.dma_semaphore, #tpu.memory_space<semaphore_mem>>) src(%dma_wait3A_537 : memref<8x1024xf32, #tpu.memory_space<vmem>>) dst(%dma_wait3A_533 : memref<8x1024xf32, #tpu.memory_space<hbm>>)
        %mul3A_538 = arith.constant 8 : i32
        %mul3A_539 = arith.muli %sub3A_477, %mul3A_538 : i32
        %add3A_540 = arith.addi %mul3A_2, %mul3A_539 : i32
        %dma_wait3A_541 = arith.constant 3 : i32
        %dma_wait3A_542 = arith.constant 24 : i32
        %dma_wait3A_543 = arith.constant 0 : i32
        %dma_wait3A_544 = tpu.memref_slice %arg7[%select_n3A_351, %dma_wait3A_542, %dma_wait3A_543] : memref<3x32x1024xf32, #tpu.memory_space<vmem>> -> memref<1x8x1024xf32, #tpu.memory_space<vmem>>
        %dma_wait3A_545 = tpu.memref_squeeze %dma_wait3A_544 : memref<1x8x1024xf32, #tpu.memory_space<vmem>> -> memref<8x1024xf32, #tpu.memory_space<vmem>>
        %dma_wait3A_546 = arith.constant 0 : i32
        %dma_wait3A_547 = tpu.memref_slice %arg5[%dma_wait3A_541, %add3A_540, %dma_wait3A_546] : memref<4x2048x1024xf32, #tpu.memory_space<hbm>> -> memref<1x8x1024xf32, #tpu.memory_space<hbm>>
        %dma_wait3A_548 = tpu.memref_squeeze %dma_wait3A_547 : memref<1x8x1024xf32, #tpu.memory_space<hbm>> -> memref<8x1024xf32, #tpu.memory_space<hbm>>
        %dma_wait3A_549 = tpu.memref_slice %arg11[%select_n3A_351] : memref<3x!tpu.dma_semaphore, #tpu.memory_space<semaphore_mem>> -> memref<1x!tpu.dma_semaphore, #tpu.memory_space<semaphore_mem>>
        %dma_wait3A_550 = tpu.memref_squeeze %dma_wait3A_549 : memref<1x!tpu.dma_semaphore, #tpu.memory_space<semaphore_mem>> -> memref<!tpu.dma_semaphore, #tpu.memory_space<semaphore_mem>>
        %dma_wait3A_551 = arith.constant 0 : i32
        %dma_wait3A_552 = tpu.memref_slice %arg5[%dma_wait3A_541, %add3A_540, %dma_wait3A_551] : memref<4x2048x1024xf32, #tpu.memory_space<hbm>> -> memref<1x8x1024xf32, #tpu.memory_space<hbm>>
        %dma_wait3A_553 = tpu.memref_squeeze %dma_wait3A_552 : memref<1x8x1024xf32, #tpu.memory_space<hbm>> -> memref<8x1024xf32, #tpu.memory_space<hbm>>
        %dma_wait3A_554 = arith.constant 24 : i32
        %dma_wait3A_555 = arith.constant 0 : i32
        %dma_wait3A_556 = tpu.memref_slice %arg7[%select_n3A_351, %dma_wait3A_554, %dma_wait3A_555] : memref<3x32x1024xf32, #tpu.memory_space<vmem>> -> memref<1x8x1024xf32, #tpu.memory_space<vmem>>
        %dma_wait3A_557 = tpu.memref_squeeze %dma_wait3A_556 : memref<1x8x1024xf32, #tpu.memory_space<vmem>> -> memref<8x1024xf32, #tpu.memory_space<vmem>>
        tpu.wait_dma2 semaphore(%dma_wait3A_550 : memref<!tpu.dma_semaphore, #tpu.memory_space<semaphore_mem>>) src(%dma_wait3A_557 : memref<8x1024xf32, #tpu.memory_space<vmem>>) dst(%dma_wait3A_553 : memref<8x1024xf32, #tpu.memory_space<hbm>>)
      } else {
      }
      %add3A_359 = arith.constant 2 : i32
      %add3A_360 = arith.addi %scan3A_324, %add3A_359 : i32
      %lt3A_361 = arith.constant 8 : i32
      %lt3A_362 = arith.cmpi slt, %add3A_360, %lt3A_361 : i32
      %convert_element_type3A_363 = arith.extui %lt3A_362 : i1 to i32
      %cond3A_364 = arith.constant 0 : i32
      %cond3A_365 = arith.cmpi ne, %convert_element_type3A_363, %cond3A_364 : i32
      scf.if %cond3A_365 {
        %add3A_477 = arith.constant 2 : i32
        %add3A_478 = arith.addi %scan3A_324, %add3A_477 : i32
        %mul3A_479 = arith.constant 8 : i32
        %mul3A_480 = arith.muli %add3A_478, %mul3A_479 : i32
        %add3A_481 = arith.addi %mul3A_2, %mul3A_480 : i32
        %dma_start3A_482 = arith.constant 0 : i32
        %dma_start3A_483 = arith.constant 0 : i32
        %dma_start3A_484 = tpu.memref_slice %arg8[%select_n3A_351, %dma_start3A_482, %dma_start3A_483] : memref<3x8x1024xf32, #tpu.memory_space<vmem>> -> memref<1x8x1024xf32, #tpu.memory_space<vmem>>
        %dma_start3A_485 = tpu.memref_squeeze %dma_start3A_484 : memref<1x8x1024xf32, #tpu.memory_space<vmem>> -> memref<8x1024xf32, #tpu.memory_space<vmem>>
        %dma_start3A_486 = arith.constant 0 : i32
        %dma_start3A_487 = tpu.memref_slice %arg4[%add3A_481, %dma_start3A_486] : memref<2048x1024xf32, #tpu.memory_space<hbm>> -> memref<8x1024xf32, #tpu.memory_space<hbm>>
        %dma_start3A_488 = tpu.memref_slice %arg10[%select_n3A_351] : memref<3x!tpu.dma_semaphore, #tpu.memory_space<semaphore_mem>> -> memref<1x!tpu.dma_semaphore, #tpu.memory_space<semaphore_mem>>
        %dma_start3A_489 = tpu.memref_squeeze %dma_start3A_488 : memref<1x!tpu.dma_semaphore, #tpu.memory_space<semaphore_mem>> -> memref<!tpu.dma_semaphore, #tpu.memory_space<semaphore_mem>>
        %dma_start3A_490 = arith.constant 0 : i32
        %dma_start3A_491 = arith.constant 0 : i32
        %dma_start3A_492 = tpu.memref_slice %arg8[%select_n3A_351, %dma_start3A_490, %dma_start3A_491] : memref<3x8x1024xf32, #tpu.memory_space<vmem>> -> memref<1x8x1024xf32, #tpu.memory_space<vmem>>
        %dma_start3A_493 = tpu.memref_squeeze %dma_start3A_492 : memref<1x8x1024xf32, #tpu.memory_space<vmem>> -> memref<8x1024xf32, #tpu.memory_space<vmem>>
        %dma_start3A_494 = arith.constant 0 : i32
        %dma_start3A_495 = tpu.memref_slice %arg4[%add3A_481, %dma_start3A_494] : memref<2048x1024xf32, #tpu.memory_space<hbm>> -> memref<8x1024xf32, #tpu.memory_space<hbm>>
        tpu.enqueue_dma source(%dma_start3A_495 : memref<8x1024xf32, #tpu.memory_space<hbm>>) target(%dma_start3A_493 : memref<8x1024xf32, #tpu.memory_space<vmem>>) target_semaphore(%dma_start3A_489 : memref<!tpu.dma_semaphore, #tpu.memory_space<semaphore_mem>>)
        %dma_start3A_496 = arith.constant 0 : i32
        %dma_start3A_497 = arith.constant 0 : i32
        %dma_start3A_498 = tpu.memref_slice %arg7[%select_n3A_351, %dma_start3A_496, %dma_start3A_497] : memref<3x32x1024xf32, #tpu.memory_space<vmem>> -> memref<1x32x1024xf32, #tpu.memory_space<vmem>>
        %dma_start3A_499 = tpu.memref_squeeze %dma_start3A_498 : memref<1x32x1024xf32, #tpu.memory_space<vmem>> -> memref<32x1024xf32, #tpu.memory_space<vmem>>
        %dma_start3A_500 = arith.constant 0 : i32
        %dma_start3A_501 = tpu.memref_slice %arg6[%add3A_478, %dma_start3A_500] : memref<8x32xi32, #tpu.memory_space<vmem>> -> memref<1x32xi32, #tpu.memory_space<vmem>>
        %dma_start3A_502 = tpu.memref_squeeze %dma_start3A_501 : memref<1x32xi32, #tpu.memory_space<vmem>> -> memref<32xi32, #tpu.memory_space<vmem>>
        %dma_start3A_503 = arith.constant 0 : i32
        %dma_start3A_504 = arith.constant 0 : i32
        %dma_start3A_505 = tpu.memref_slice %arg3[%dma_start3A_503, %dma_start3A_504] : memref<100000x1024xf32, #tpu.memory_space<hbm>> -> memref<100000x1024xf32, #tpu.memory_space<hbm>>
        %dma_start3A_506 = tpu.memref_slice %arg9[%select_n3A_351] : memref<3x!tpu.dma_semaphore, #tpu.memory_space<semaphore_mem>> -> memref<1x!tpu.dma_semaphore, #tpu.memory_space<semaphore_mem>>
        %dma_start3A_507 = tpu.memref_squeeze %dma_start3A_506 : memref<1x!tpu.dma_semaphore, #tpu.memory_space<semaphore_mem>> -> memref<!tpu.dma_semaphore, #tpu.memory_space<semaphore_mem>>
        tpu.enqueue_indirect_dma source(%dma_start3A_505 : memref<100000x1024xf32, #tpu.memory_space<hbm>>) target(%dma_start3A_499 : memref<32x1024xf32, #tpu.memory_space<vmem>>) offsets(%dma_start3A_502 : memref<32xi32, #tpu.memory_space<vmem>>) semaphore(%dma_start3A_507 : memref<!tpu.dma_semaphore, #tpu.memory_space<semaphore_mem>>)
      } else {
      }
      %mul3A_366 = arith.constant 8 : i32
      %mul3A_367 = arith.muli %scan3A_324, %mul3A_366 : i32
      %add3A_368 = arith.addi %mul3A_2, %mul3A_367 : i32
      %dma_wait3A_369 = arith.constant 0 : i32
      %dma_wait3A_370 = arith.constant 0 : i32
      %dma_wait3A_371 = tpu.memref_slice %arg8[%select_n3A_333, %dma_wait3A_369, %dma_wait3A_370] : memref<3x8x1024xf32, #tpu.memory_space<vmem>> -> memref<1x8x1024xf32, #tpu.memory_space<vmem>>
      %dma_wait3A_372 = tpu.memref_squeeze %dma_wait3A_371 : memref<1x8x1024xf32, #tpu.memory_space<vmem>> -> memref<8x1024xf32, #tpu.memory_space<vmem>>
      %dma_wait3A_373 = arith.constant 0 : i32
      %dma_wait3A_374 = tpu.memref_slice %arg4[%add3A_368, %dma_wait3A_373] : memref<2048x1024xf32, #tpu.memory_space<hbm>> -> memref<8x1024xf32, #tpu.memory_space<hbm>>
      %dma_wait3A_375 = tpu.memref_slice %arg10[%select_n3A_333] : memref<3x!tpu.dma_semaphore, #tpu.memory_space<semaphore_mem>> -> memref<1x!tpu.dma_semaphore, #tpu.memory_space<semaphore_mem>>
      %dma_wait3A_376 = tpu.memref_squeeze %dma_wait3A_375 : memref<1x!tpu.dma_semaphore, #tpu.memory_space<semaphore_mem>> -> memref<!tpu.dma_semaphore, #tpu.memory_space<semaphore_mem>>
      %dma_wait3A_377 = arith.constant 0 : i32
      %dma_wait3A_378 = arith.constant 0 : i32
      %dma_wait3A_379 = tpu.memref_slice %arg8[%select_n3A_333, %dma_wait3A_377, %dma_wait3A_378] : memref<3x8x1024xf32, #tpu.memory_space<vmem>> -> memref<1x8x1024xf32, #tpu.memory_space<vmem>>
      %dma_wait3A_380 = tpu.memref_squeeze %dma_wait3A_379 : memref<1x8x1024xf32, #tpu.memory_space<vmem>> -> memref<8x1024xf32, #tpu.memory_space<vmem>>
      %dma_wait3A_381 = arith.constant 0 : i32
      %dma_wait3A_382 = tpu.memref_slice %arg4[%add3A_368, %dma_wait3A_381] : memref<2048x1024xf32, #tpu.memory_space<hbm>> -> memref<8x1024xf32, #tpu.memory_space<hbm>>
      tpu.wait_dma2 semaphore(%dma_wait3A_376 : memref<!tpu.dma_semaphore, #tpu.memory_space<semaphore_mem>>) src(%dma_wait3A_382 : memref<8x1024xf32, #tpu.memory_space<hbm>>) dst(%dma_wait3A_380 : memref<8x1024xf32, #tpu.memory_space<vmem>>)
      %dma_wait3A_383 = arith.constant 0 : i32
      %dma_wait3A_384 = arith.constant 0 : i32
      %dma_wait3A_385 = tpu.memref_slice %arg7[%select_n3A_333, %dma_wait3A_383, %dma_wait3A_384] : memref<3x32x1024xf32, #tpu.memory_space<vmem>> -> memref<1x32x1024xf32, #tpu.memory_space<vmem>>
      %dma_wait3A_386 = tpu.memref_squeeze %dma_wait3A_385 : memref<1x32x1024xf32, #tpu.memory_space<vmem>> -> memref<32x1024xf32, #tpu.memory_space<vmem>>
      %dma_wait3A_387 = arith.constant 0 : i32
      %dma_wait3A_388 = tpu.memref_slice %arg6[%scan3A_324, %dma_wait3A_387] : memref<8x32xi32, #tpu.memory_space<vmem>> -> memref<1x32xi32, #tpu.memory_space<vmem>>
      %dma_wait3A_389 = tpu.memref_squeeze %dma_wait3A_388 : memref<1x32xi32, #tpu.memory_space<vmem>> -> memref<32xi32, #tpu.memory_space<vmem>>
      %dma_wait3A_390 = arith.constant 0 : i32
      %dma_wait3A_391 = arith.constant 0 : i32
      %dma_wait3A_392 = tpu.memref_slice %arg3[%dma_wait3A_390, %dma_wait3A_391] : memref<100000x1024xf32, #tpu.memory_space<hbm>> -> memref<100000x1024xf32, #tpu.memory_space<hbm>>
      %dma_wait3A_393 = tpu.memref_slice %arg9[%select_n3A_333] : memref<3x!tpu.dma_semaphore, #tpu.memory_space<semaphore_mem>> -> memref<1x!tpu.dma_semaphore, #tpu.memory_space<semaphore_mem>>
      %dma_wait3A_394 = tpu.memref_squeeze %dma_wait3A_393 : memref<1x!tpu.dma_semaphore, #tpu.memory_space<semaphore_mem>> -> memref<!tpu.dma_semaphore, #tpu.memory_space<semaphore_mem>>
      tpu.wait_indirect_dma semaphore(%dma_wait3A_394 : memref<!tpu.dma_semaphore, #tpu.memory_space<semaphore_mem>>) src(%dma_wait3A_392 : memref<100000x1024xf32, #tpu.memory_space<hbm>>) dst(%dma_wait3A_386 : memref<32x1024xf32, #tpu.memory_space<vmem>>)
      %parallel_loop3A = arith.constant 0 : i32
      %parallel_loop3A_395 = arith.constant 64 : i32
      %parallel_loop3A_396 = arith.constant 1 : i32
      scf.for %parallel_loop3A_477 = %parallel_loop3A to %parallel_loop3A_395 step %parallel_loop3A_396  : i32 {
        %parallel_loop3A_478 = arith.constant 16 : i32
        %parallel_loop3A_479 = arith.muli %parallel_loop3A_477, %parallel_loop3A_478 : i32
        %parallel_loop3A_480 = arith.constant 0 : i32
        %parallel_loop3A_481 = arith.index_cast %select_n3A_333 : i32 to index
        %parallel_loop3A_482 = arith.index_cast %parallel_loop3A_480 : i32 to index
        %parallel_loop3A_483 = arith.index_cast %parallel_loop3A_479 : i32 to index
        %parallel_loop3A_484 = tpu.vector_load %arg8[%parallel_loop3A_481, %parallel_loop3A_482, %parallel_loop3A_483] {strides = array<i32>} : memref<3x8x1024xf32, #tpu.memory_space<vmem>>, vector<1x1x16xf32>,
        %parallel_loop3A_485 = vector.shape_cast %parallel_loop3A_484 : vector<1x1x16xf32> to vector<16xf32>
        %parallel_loop3A_486 = arith.constant 16 : i32
        %parallel_loop3A_487 = arith.muli %parallel_loop3A_477, %parallel_loop3A_486 : i32
        %parallel_loop3A_488 = arith.constant 0 : i32
        %parallel_loop3A_489 = arith.index_cast %select_n3A_333 : i32 to index
        %parallel_loop3A_490 = arith.index_cast %parallel_loop3A_488 : i32 to index
        %parallel_loop3A_491 = arith.index_cast %parallel_loop3A_487 : i32 to index
        %parallel_loop3A_492 = tpu.vector_load %arg7[%parallel_loop3A_489, %parallel_loop3A_490, %parallel_loop3A_491] {strides = array<i32>} : memref<3x32x1024xf32, #tpu.memory_space<vmem>>, vector<1x1x16xf32>,
        %parallel_loop3A_493 = vector.shape_cast %parallel_loop3A_492 : vector<1x1x16xf32> to vector<16xf32>
        %parallel_loop3A_494 = vector.shape_cast %parallel_loop3A_485 : vector<16xf32> to vector<1x1x16xf32>
        tpu.vector_store %arg7[%parallel_loop3A_489, %parallel_loop3A_490, %parallel_loop3A_491], %parallel_loop3A_494 {add = true, strides = array<i32>} : memref<3x32x1024xf32, #tpu.memory_space<vmem>>, vector<1x1x16xf32>,
        %parallel_loop3A_495 = arith.constant 16 : i32
        %parallel_loop3A_496 = arith.muli %parallel_loop3A_477, %parallel_loop3A_495 : i32
        %parallel_loop3A_497 = arith.constant 8 : i32
        %parallel_loop3A_498 = arith.index_cast %select_n3A_333 : i32 to index
        %parallel_loop3A_499 = arith.index_cast %parallel_loop3A_497 : i32 to index
        %parallel_loop3A_500 = arith.index_cast %parallel_loop3A_496 : i32 to index
        %parallel_loop3A_501 = tpu.vector_load %arg7[%parallel_loop3A_498, %parallel_loop3A_499, %parallel_loop3A_500] {strides = array<i32>} : memref<3x32x1024xf32, #tpu.memory_space<vmem>>, vector<1x1x16xf32>,
        %parallel_loop3A_502 = vector.shape_cast %parallel_loop3A_501 : vector<1x1x16xf32> to vector<16xf32>
        %parallel_loop3A_503 = vector.shape_cast %parallel_loop3A_485 : vector<16xf32> to vector<1x1x16xf32>
        tpu.vector_store %arg7[%parallel_loop3A_498, %parallel_loop3A_499, %parallel_loop3A_500], %parallel_loop3A_503 {add = true, strides = array<i32>} : memref<3x32x1024xf32, #tpu.memory_space<vmem>>, vector<1x1x16xf32>,
        %parallel_loop3A_504 = arith.constant 16 : i32
        %parallel_loop3A_505 = arith.muli %parallel_loop3A_477, %parallel_loop3A_504 : i32
        %parallel_loop3A_506 = arith.constant 16 : i32
        %parallel_loop3A_507 = arith.index_cast %select_n3A_333 : i32 to index
        %parallel_loop3A_508 = arith.index_cast %parallel_loop3A_506 : i32 to index
        %parallel_loop3A_509 = arith.index_cast %parallel_loop3A_505 : i32 to index
        %parallel_loop3A_510 = tpu.vector_load %arg7[%parallel_loop3A_507, %parallel_loop3A_508, %parallel_loop3A_509] {strides = array<i32>} : memref<3x32x1024xf32, #tpu.memory_space<vmem>>, vector<1x1x16xf32>,
        %parallel_loop3A_511 = vector.shape_cast %parallel_loop3A_510 : vector<1x1x16xf32> to vector<16xf32>
        %parallel_loop3A_512 = vector.shape_cast %parallel_loop3A_485 : vector<16xf32> to vector<1x1x16xf32>
        tpu.vector_store %arg7[%parallel_loop3A_507, %parallel_loop3A_508, %parallel_loop3A_509], %parallel_loop3A_512 {add = true, strides = array<i32>} : memref<3x32x1024xf32, #tpu.memory_space<vmem>>, vector<1x1x16xf32>,
        %parallel_loop3A_513 = arith.constant 16 : i32
        %parallel_loop3A_514 = arith.muli %parallel_loop3A_477, %parallel_loop3A_513 : i32
        %parallel_loop3A_515 = arith.constant 24 : i32
        %parallel_loop3A_516 = arith.index_cast %select_n3A_333 : i32 to index
        %parallel_loop3A_517 = arith.index_cast %parallel_loop3A_515 : i32 to index
        %parallel_loop3A_518 = arith.index_cast %parallel_loop3A_514 : i32 to index
        %parallel_loop3A_519 = tpu.vector_load %arg7[%parallel_loop3A_516, %parallel_loop3A_517, %parallel_loop3A_518] {strides = array<i32>} : memref<3x32x1024xf32, #tpu.memory_space<vmem>>, vector<1x1x16xf32>,
        %parallel_loop3A_520 = vector.shape_cast %parallel_loop3A_519 : vector<1x1x16xf32> to vector<16xf32>
        %parallel_loop3A_521 = vector.shape_cast %parallel_loop3A_485 : vector<16xf32> to vector<1x1x16xf32>
        tpu.vector_store %arg7[%parallel_loop3A_516, %parallel_loop3A_517, %parallel_loop3A_518], %parallel_loop3A_521 {add = true, strides = array<i32>} : memref<3x32x1024xf32, #tpu.memory_space<vmem>>, vector<1x1x16xf32>,
        %parallel_loop3A_522 = arith.constant 16 : i32
        %parallel_loop3A_523 = arith.muli %parallel_loop3A_477, %parallel_loop3A_522 : i32
        %parallel_loop3A_524 = arith.constant 1 : i32
        %parallel_loop3A_525 = arith.index_cast %select_n3A_333 : i32 to index
        %parallel_loop3A_526 = arith.index_cast %parallel_loop3A_524 : i32 to index
        %parallel_loop3A_527 = arith.index_cast %parallel_loop3A_523 : i32 to index
        %parallel_loop3A_528 = tpu.vector_load %arg8[%parallel_loop3A_525, %parallel_loop3A_526, %parallel_loop3A_527] {strides = array<i32>} : memref<3x8x1024xf32, #tpu.memory_space<vmem>>, vector<1x1x16xf32>,
        %parallel_loop3A_529 = vector.shape_cast %parallel_loop3A_528 : vector<1x1x16xf32> to vector<16xf32>
        %parallel_loop3A_530 = arith.constant 16 : i32
        %parallel_loop3A_531 = arith.muli %parallel_loop3A_477, %parallel_loop3A_530 : i32
        %parallel_loop3A_532 = arith.constant 1 : i32
        %parallel_loop3A_533 = arith.index_cast %select_n3A_333 : i32 to index
        %parallel_loop3A_534 = arith.index_cast %parallel_loop3A_532 : i32 to index
        %parallel_loop3A_535 = arith.index_cast %parallel_loop3A_531 : i32 to index
        %parallel_loop3A_536 = tpu.vector_load %arg7[%parallel_loop3A_533, %parallel_loop3A_534, %parallel_loop3A_535] {strides = array<i32>} : memref<3x32x1024xf32, #tpu.memory_space<vmem>>, vector<1x1x16xf32>,
        %parallel_loop3A_537 = vector.shape_cast %parallel_loop3A_536 : vector<1x1x16xf32> to vector<16xf32>
        %parallel_loop3A_538 = vector.shape_cast %parallel_loop3A_529 : vector<16xf32> to vector<1x1x16xf32>
        tpu.vector_store %arg7[%parallel_loop3A_533, %parallel_loop3A_534, %parallel_loop3A_535], %parallel_loop3A_538 {add = true, strides = array<i32>} : memref<3x32x1024xf32, #tpu.memory_space<vmem>>, vector<1x1x16xf32>,
        %parallel_loop3A_539 = arith.constant 16 : i32
        %parallel_loop3A_540 = arith.muli %parallel_loop3A_477, %parallel_loop3A_539 : i32
        %parallel_loop3A_541 = arith.constant 9 : i32
        %parallel_loop3A_542 = arith.index_cast %select_n3A_333 : i32 to index
        %parallel_loop3A_543 = arith.index_cast %parallel_loop3A_541 : i32 to index
        %parallel_loop3A_544 = arith.index_cast %parallel_loop3A_540 : i32 to index
        %parallel_loop3A_545 = tpu.vector_load %arg7[%parallel_loop3A_542, %parallel_loop3A_543, %parallel_loop3A_544] {strides = array<i32>} : memref<3x32x1024xf32, #tpu.memory_space<vmem>>, vector<1x1x16xf32>,
        %parallel_loop3A_546 = vector.shape_cast %parallel_loop3A_545 : vector<1x1x16xf32> to vector<16xf32>
        %parallel_loop3A_547 = vector.shape_cast %parallel_loop3A_529 : vector<16xf32> to vector<1x1x16xf32>
        tpu.vector_store %arg7[%parallel_loop3A_542, %parallel_loop3A_543, %parallel_loop3A_544], %parallel_loop3A_547 {add = true, strides = array<i32>} : memref<3x32x1024xf32, #tpu.memory_space<vmem>>, vector<1x1x16xf32>,
        %parallel_loop3A_548 = arith.constant 16 : i32
        %parallel_loop3A_549 = arith.muli %parallel_loop3A_477, %parallel_loop3A_548 : i32
        %parallel_loop3A_550 = arith.constant 17 : i32
        %parallel_loop3A_551 = arith.index_cast %select_n3A_333 : i32 to index
        %parallel_loop3A_552 = arith.index_cast %parallel_loop3A_550 : i32 to index
        %parallel_loop3A_553 = arith.index_cast %parallel_loop3A_549 : i32 to index
        %parallel_loop3A_554 = tpu.vector_load %arg7[%parallel_loop3A_551, %parallel_loop3A_552, %parallel_loop3A_553] {strides = array<i32>} : memref<3x32x1024xf32, #tpu.memory_space<vmem>>, vector<1x1x16xf32>,
        %parallel_loop3A_555 = vector.shape_cast %parallel_loop3A_554 : vector<1x1x16xf32> to vector<16xf32>
        %parallel_loop3A_556 = vector.shape_cast %parallel_loop3A_529 : vector<16xf32> to vector<1x1x16xf32>
        tpu.vector_store %arg7[%parallel_loop3A_551, %parallel_loop3A_552, %parallel_loop3A_553], %parallel_loop3A_556 {add = true, strides = array<i32>} : memref<3x32x1024xf32, #tpu.memory_space<vmem>>, vector<1x1x16xf32>,
        %parallel_loop3A_557 = arith.constant 16 : i32
        %parallel_loop3A_558 = arith.muli %parallel_loop3A_477, %parallel_loop3A_557 : i32
        %parallel_loop3A_559 = arith.constant 25 : i32
        %parallel_loop3A_560 = arith.index_cast %select_n3A_333 : i32 to index
        %parallel_loop3A_561 = arith.index_cast %parallel_loop3A_559 : i32 to index
        %parallel_loop3A_562 = arith.index_cast %parallel_loop3A_558 : i32 to index
        %parallel_loop3A_563 = tpu.vector_load %arg7[%parallel_loop3A_560, %parallel_loop3A_561, %parallel_loop3A_562] {strides = array<i32>} : memref<3x32x1024xf32, #tpu.memory_space<vmem>>, vector<1x1x16xf32>,
        %parallel_loop3A_564 = vector.shape_cast %parallel_loop3A_563 : vector<1x1x16xf32> to vector<16xf32>
        %parallel_loop3A_565 = vector.shape_cast %parallel_loop3A_529 : vector<16xf32> to vector<1x1x16xf32>
        tpu.vector_store %arg7[%parallel_loop3A_560, %parallel_loop3A_561, %parallel_loop3A_562], %parallel_loop3A_565 {add = true, strides = array<i32>} : memref<3x32x1024xf32, #tpu.memory_space<vmem>>, vector<1x1x16xf32>,
        %parallel_loop3A_566 = arith.constant 16 : i32
        %parallel_loop3A_567 = arith.muli %parallel_loop3A_477, %parallel_loop3A_566 : i32
        %parallel_loop3A_568 = arith.constant 2 : i32
        %parallel_loop3A_569 = arith.index_cast %select_n3A_333 : i32 to index
        %parallel_loop3A_570 = arith.index_cast %parallel_loop3A_568 : i32 to index
        %parallel_loop3A_571 = arith.index_cast %parallel_loop3A_567 : i32 to index
        %parallel_loop3A_572 = tpu.vector_load %arg8[%parallel_loop3A_569, %parallel_loop3A_570, %parallel_loop3A_571] {strides = array<i32>} : memref<3x8x1024xf32, #tpu.memory_space<vmem>>, vector<1x1x16xf32>,
        %parallel_loop3A_573 = vector.shape_cast %parallel_loop3A_572 : vector<1x1x16xf32> to vector<16xf32>
        %parallel_loop3A_574 = arith.constant 16 : i32
        %parallel_loop3A_575 = arith.muli %parallel_loop3A_477, %parallel_loop3A_574 : i32
        %parallel_loop3A_576 = arith.constant 2 : i32
        %parallel_loop3A_577 = arith.index_cast %select_n3A_333 : i32 to index
        %parallel_loop3A_578 = arith.index_cast %parallel_loop3A_576 : i32 to index
        %parallel_loop3A_579 = arith.index_cast %parallel_loop3A_575 : i32 to index
        %parallel_loop3A_580 = tpu.vector_load %arg7[%parallel_loop3A_577, %parallel_loop3A_578, %parallel_loop3A_579] {strides = array<i32>} : memref<3x32x1024xf32, #tpu.memory_space<vmem>>, vector<1x1x16xf32>,
        %parallel_loop3A_581 = vector.shape_cast %parallel_loop3A_580 : vector<1x1x16xf32> to vector<16xf32>
        %parallel_loop3A_582 = vector.shape_cast %parallel_loop3A_573 : vector<16xf32> to vector<1x1x16xf32>
        tpu.vector_store %arg7[%parallel_loop3A_577, %parallel_loop3A_578, %parallel_loop3A_579], %parallel_loop3A_582 {add = true, strides = array<i32>} : memref<3x32x1024xf32, #tpu.memory_space<vmem>>, vector<1x1x16xf32>,
        %parallel_loop3A_583 = arith.constant 16 : i32
        %parallel_loop3A_584 = arith.muli %parallel_loop3A_477, %parallel_loop3A_583 : i32
        %parallel_loop3A_585 = arith.constant 10 : i32
        %parallel_loop3A_586 = arith.index_cast %select_n3A_333 : i32 to index
        %parallel_loop3A_587 = arith.index_cast %parallel_loop3A_585 : i32 to index
        %parallel_loop3A_588 = arith.index_cast %parallel_loop3A_584 : i32 to index
        %parallel_loop3A_589 = tpu.vector_load %arg7[%parallel_loop3A_586, %parallel_loop3A_587, %parallel_loop3A_588] {strides = array<i32>} : memref<3x32x1024xf32, #tpu.memory_space<vmem>>, vector<1x1x16xf32>,
        %parallel_loop3A_590 = vector.shape_cast %parallel_loop3A_589 : vector<1x1x16xf32> to vector<16xf32>
        %parallel_loop3A_591 = vector.shape_cast %parallel_loop3A_573 : vector<16xf32> to vector<1x1x16xf32>
        tpu.vector_store %arg7[%parallel_loop3A_586, %parallel_loop3A_587, %parallel_loop3A_588], %parallel_loop3A_591 {add = true, strides = array<i32>} : memref<3x32x1024xf32, #tpu.memory_space<vmem>>, vector<1x1x16xf32>,
        %parallel_loop3A_592 = arith.constant 16 : i32
        %parallel_loop3A_593 = arith.muli %parallel_loop3A_477, %parallel_loop3A_592 : i32
        %parallel_loop3A_594 = arith.constant 18 : i32
        %parallel_loop3A_595 = arith.index_cast %select_n3A_333 : i32 to index
        %parallel_loop3A_596 = arith.index_cast %parallel_loop3A_594 : i32 to index
        %parallel_loop3A_597 = arith.index_cast %parallel_loop3A_593 : i32 to index
        %parallel_loop3A_598 = tpu.vector_load %arg7[%parallel_loop3A_595, %parallel_loop3A_596, %parallel_loop3A_597] {strides = array<i32>} : memref<3x32x1024xf32, #tpu.memory_space<vmem>>, vector<1x1x16xf32>,
        %parallel_loop3A_599 = vector.shape_cast %parallel_loop3A_598 : vector<1x1x16xf32> to vector<16xf32>
        %parallel_loop3A_600 = vector.shape_cast %parallel_loop3A_573 : vector<16xf32> to vector<1x1x16xf32>
        tpu.vector_store %arg7[%parallel_loop3A_595, %parallel_loop3A_596, %parallel_loop3A_597], %parallel_loop3A_600 {add = true, strides = array<i32>} : memref<3x32x1024xf32, #tpu.memory_space<vmem>>, vector<1x1x16xf32>,
        %parallel_loop3A_601 = arith.constant 16 : i32
        %parallel_loop3A_602 = arith.muli %parallel_loop3A_477, %parallel_loop3A_601 : i32
        %parallel_loop3A_603 = arith.constant 26 : i32
        %parallel_loop3A_604 = arith.index_cast %select_n3A_333 : i32 to index
        %parallel_loop3A_605 = arith.index_cast %parallel_loop3A_603 : i32 to index
        %parallel_loop3A_606 = arith.index_cast %parallel_loop3A_602 : i32 to index
        %parallel_loop3A_607 = tpu.vector_load %arg7[%parallel_loop3A_604, %parallel_loop3A_605, %parallel_loop3A_606] {strides = array<i32>} : memref<3x32x1024xf32, #tpu.memory_space<vmem>>, vector<1x1x16xf32>,
        %parallel_loop3A_608 = vector.shape_cast %parallel_loop3A_607 : vector<1x1x16xf32> to vector<16xf32>
        %parallel_loop3A_609 = vector.shape_cast %parallel_loop3A_573 : vector<16xf32> to vector<1x1x16xf32>
        tpu.vector_store %arg7[%parallel_loop3A_604, %parallel_loop3A_605, %parallel_loop3A_606], %parallel_loop3A_609 {add = true, strides = array<i32>} : memref<3x32x1024xf32, #tpu.memory_space<vmem>>, vector<1x1x16xf32>,
        %parallel_loop3A_610 = arith.constant 16 : i32
        %parallel_loop3A_611 = arith.muli %parallel_loop3A_477, %parallel_loop3A_610 : i32
        %parallel_loop3A_612 = arith.constant 3 : i32
        %parallel_loop3A_613 = arith.index_cast %select_n3A_333 : i32 to index
        %parallel_loop3A_614 = arith.index_cast %parallel_loop3A_612 : i32 to index
        %parallel_loop3A_615 = arith.index_cast %parallel_loop3A_611 : i32 to index
        %parallel_loop3A_616 = tpu.vector_load %arg8[%parallel_loop3A_613, %parallel_loop3A_614, %parallel_loop3A_615] {strides = array<i32>} : memref<3x8x1024xf32, #tpu.memory_space<vmem>>, vector<1x1x16xf32>,
        %parallel_loop3A_617 = vector.shape_cast %parallel_loop3A_616 : vector<1x1x16xf32> to vector<16xf32>
        %parallel_loop3A_618 = arith.constant 16 : i32
        %parallel_loop3A_619 = arith.muli %parallel_loop3A_477, %parallel_loop3A_618 : i32
        %parallel_loop3A_620 = arith.constant 3 : i32
        %parallel_loop3A_621 = arith.index_cast %select_n3A_333 : i32 to index
        %parallel_loop3A_622 = arith.index_cast %parallel_loop3A_620 : i32 to index
        %parallel_loop3A_623 = arith.index_cast %parallel_loop3A_619 : i32 to index
        %parallel_loop3A_624 = tpu.vector_load %arg7[%parallel_loop3A_621, %parallel_loop3A_622, %parallel_loop3A_623] {strides = array<i32>} : memref<3x32x1024xf32, #tpu.memory_space<vmem>>, vector<1x1x16xf32>,
        %parallel_loop3A_625 = vector.shape_cast %parallel_loop3A_624 : vector<1x1x16xf32> to vector<16xf32>
        %parallel_loop3A_626 = vector.shape_cast %parallel_loop3A_617 : vector<16xf32> to vector<1x1x16xf32>
        tpu.vector_store %arg7[%parallel_loop3A_621, %parallel_loop3A_622, %parallel_loop3A_623], %parallel_loop3A_626 {add = true, strides = array<i32>} : memref<3x32x1024xf32, #tpu.memory_space<vmem>>, vector<1x1x16xf32>,
        %parallel_loop3A_627 = arith.constant 16 : i32
        %parallel_loop3A_628 = arith.muli %parallel_loop3A_477, %parallel_loop3A_627 : i32
        %parallel_loop3A_629 = arith.constant 11 : i32
        %parallel_loop3A_630 = arith.index_cast %select_n3A_333 : i32 to index
        %parallel_loop3A_631 = arith.index_cast %parallel_loop3A_629 : i32 to index
        %parallel_loop3A_632 = arith.index_cast %parallel_loop3A_628 : i32 to index
        %parallel_loop3A_633 = tpu.vector_load %arg7[%parallel_loop3A_630, %parallel_loop3A_631, %parallel_loop3A_632] {strides = array<i32>} : memref<3x32x1024xf32, #tpu.memory_space<vmem>>, vector<1x1x16xf32>,
        %parallel_loop3A_634 = vector.shape_cast %parallel_loop3A_633 : vector<1x1x16xf32> to vector<16xf32>
        %parallel_loop3A_635 = vector.shape_cast %parallel_loop3A_617 : vector<16xf32> to vector<1x1x16xf32>
        tpu.vector_store %arg7[%parallel_loop3A_630, %parallel_loop3A_631, %parallel_loop3A_632], %parallel_loop3A_635 {add = true, strides = array<i32>} : memref<3x32x1024xf32, #tpu.memory_space<vmem>>, vector<1x1x16xf32>,
        %parallel_loop3A_636 = arith.constant 16 : i32
        %parallel_loop3A_637 = arith.muli %parallel_loop3A_477, %parallel_loop3A_636 : i32
        %parallel_loop3A_638 = arith.constant 19 : i32
        %parallel_loop3A_639 = arith.index_cast %select_n3A_333 : i32 to index
        %parallel_loop3A_640 = arith.index_cast %parallel_loop3A_638 : i32 to index
        %parallel_loop3A_641 = arith.index_cast %parallel_loop3A_637 : i32 to index
        %parallel_loop3A_642 = tpu.vector_load %arg7[%parallel_loop3A_639, %parallel_loop3A_640, %parallel_loop3A_641] {strides = array<i32>} : memref<3x32x1024xf32, #tpu.memory_space<vmem>>, vector<1x1x16xf32>,
        %parallel_loop3A_643 = vector.shape_cast %parallel_loop3A_642 : vector<1x1x16xf32> to vector<16xf32>
        %parallel_loop3A_644 = vector.shape_cast %parallel_loop3A_617 : vector<16xf32> to vector<1x1x16xf32>
        tpu.vector_store %arg7[%parallel_loop3A_639, %parallel_loop3A_640, %parallel_loop3A_641], %parallel_loop3A_644 {add = true, strides = array<i32>} : memref<3x32x1024xf32, #tpu.memory_space<vmem>>, vector<1x1x16xf32>,
        %parallel_loop3A_645 = arith.constant 16 : i32
        %parallel_loop3A_646 = arith.muli %parallel_loop3A_477, %parallel_loop3A_645 : i32
        %parallel_loop3A_647 = arith.constant 27 : i32
        %parallel_loop3A_648 = arith.index_cast %select_n3A_333 : i32 to index
        %parallel_loop3A_649 = arith.index_cast %parallel_loop3A_647 : i32 to index
        %parallel_loop3A_650 = arith.index_cast %parallel_loop3A_646 : i32 to index
        %parallel_loop3A_651 = tpu.vector_load %arg7[%parallel_loop3A_648, %parallel_loop3A_649, %parallel_loop3A_650] {strides = array<i32>} : memref<3x32x1024xf32, #tpu.memory_space<vmem>>, vector<1x1x16xf32>,
        %parallel_loop3A_652 = vector.shape_cast %parallel_loop3A_651 : vector<1x1x16xf32> to vector<16xf32>
        %parallel_loop3A_653 = vector.shape_cast %parallel_loop3A_617 : vector<16xf32> to vector<1x1x16xf32>
        tpu.vector_store %arg7[%parallel_loop3A_648, %parallel_loop3A_649, %parallel_loop3A_650], %parallel_loop3A_653 {add = true, strides = array<i32>} : memref<3x32x1024xf32, #tpu.memory_space<vmem>>, vector<1x1x16xf32>,
        %parallel_loop3A_654 = arith.constant 16 : i32
        %parallel_loop3A_655 = arith.muli %parallel_loop3A_477, %parallel_loop3A_654 : i32
        %parallel_loop3A_656 = arith.constant 4 : i32
        %parallel_loop3A_657 = arith.index_cast %select_n3A_333 : i32 to index
        %parallel_loop3A_658 = arith.index_cast %parallel_loop3A_656 : i32 to index
        %parallel_loop3A_659 = arith.index_cast %parallel_loop3A_655 : i32 to index
        %parallel_loop3A_660 = tpu.vector_load %arg8[%parallel_loop3A_657, %parallel_loop3A_658, %parallel_loop3A_659] {strides = array<i32>} : memref<3x8x1024xf32, #tpu.memory_space<vmem>>, vector<1x1x16xf32>,
        %parallel_loop3A_661 = vector.shape_cast %parallel_loop3A_660 : vector<1x1x16xf32> to vector<16xf32>
        %parallel_loop3A_662 = arith.constant 16 : i32
        %parallel_loop3A_663 = arith.muli %parallel_loop3A_477, %parallel_loop3A_662 : i32
        %parallel_loop3A_664 = arith.constant 4 : i32
        %parallel_loop3A_665 = arith.index_cast %select_n3A_333 : i32 to index
        %parallel_loop3A_666 = arith.index_cast %parallel_loop3A_664 : i32 to index
        %parallel_loop3A_667 = arith.index_cast %parallel_loop3A_663 : i32 to index
        %parallel_loop3A_668 = tpu.vector_load %arg7[%parallel_loop3A_665, %parallel_loop3A_666, %parallel_loop3A_667] {strides = array<i32>} : memref<3x32x1024xf32, #tpu.memory_space<vmem>>, vector<1x1x16xf32>,
        %parallel_loop3A_669 = vector.shape_cast %parallel_loop3A_668 : vector<1x1x16xf32> to vector<16xf32>
        %parallel_loop3A_670 = vector.shape_cast %parallel_loop3A_661 : vector<16xf32> to vector<1x1x16xf32>
        tpu.vector_store %arg7[%parallel_loop3A_665, %parallel_loop3A_666, %parallel_loop3A_667], %parallel_loop3A_670 {add = true, strides = array<i32>} : memref<3x32x1024xf32, #tpu.memory_space<vmem>>, vector<1x1x16xf32>,
        %parallel_loop3A_671 = arith.constant 16 : i32
        %parallel_loop3A_672 = arith.muli %parallel_loop3A_477, %parallel_loop3A_671 : i32
        %parallel_loop3A_673 = arith.constant 12 : i32
        %parallel_loop3A_674 = arith.index_cast %select_n3A_333 : i32 to index
        %parallel_loop3A_675 = arith.index_cast %parallel_loop3A_673 : i32 to index
        %parallel_loop3A_676 = arith.index_cast %parallel_loop3A_672 : i32 to index
        %parallel_loop3A_677 = tpu.vector_load %arg7[%parallel_loop3A_674, %parallel_loop3A_675, %parallel_loop3A_676] {strides = array<i32>} : memref<3x32x1024xf32, #tpu.memory_space<vmem>>, vector<1x1x16xf32>,
        %parallel_loop3A_678 = vector.shape_cast %parallel_loop3A_677 : vector<1x1x16xf32> to vector<16xf32>
        %parallel_loop3A_679 = vector.shape_cast %parallel_loop3A_661 : vector<16xf32> to vector<1x1x16xf32>
        tpu.vector_store %arg7[%parallel_loop3A_674, %parallel_loop3A_675, %parallel_loop3A_676], %parallel_loop3A_679 {add = true, strides = array<i32>} : memref<3x32x1024xf32, #tpu.memory_space<vmem>>, vector<1x1x16xf32>,
        %parallel_loop3A_680 = arith.constant 16 : i32
        %parallel_loop3A_681 = arith.muli %parallel_loop3A_477, %parallel_loop3A_680 : i32
        %parallel_loop3A_682 = arith.constant 20 : i32
        %parallel_loop3A_683 = arith.index_cast %select_n3A_333 : i32 to index
        %parallel_loop3A_684 = arith.index_cast %parallel_loop3A_682 : i32 to index
        %parallel_loop3A_685 = arith.index_cast %parallel_loop3A_681 : i32 to index
        %parallel_loop3A_686 = tpu.vector_load %arg7[%parallel_loop3A_683, %parallel_loop3A_684, %parallel_loop3A_685] {strides = array<i32>} : memref<3x32x1024xf32, #tpu.memory_space<vmem>>, vector<1x1x16xf32>,
        %parallel_loop3A_687 = vector.shape_cast %parallel_loop3A_686 : vector<1x1x16xf32> to vector<16xf32>
        %parallel_loop3A_688 = vector.shape_cast %parallel_loop3A_661 : vector<16xf32> to vector<1x1x16xf32>
        tpu.vector_store %arg7[%parallel_loop3A_683, %parallel_loop3A_684, %parallel_loop3A_685], %parallel_loop3A_688 {add = true, strides = array<i32>} : memref<3x32x1024xf32, #tpu.memory_space<vmem>>, vector<1x1x16xf32>,
        %parallel_loop3A_689 = arith.constant 16 : i32
        %parallel_loop3A_690 = arith.muli %parallel_loop3A_477, %parallel_loop3A_689 : i32
        %parallel_loop3A_691 = arith.constant 28 : i32
        %parallel_loop3A_692 = arith.index_cast %select_n3A_333 : i32 to index
        %parallel_loop3A_693 = arith.index_cast %parallel_loop3A_691 : i32 to index
        %parallel_loop3A_694 = arith.index_cast %parallel_loop3A_690 : i32 to index
        %parallel_loop3A_695 = tpu.vector_load %arg7[%parallel_loop3A_692, %parallel_loop3A_693, %parallel_loop3A_694] {strides = array<i32>} : memref<3x32x1024xf32, #tpu.memory_space<vmem>>, vector<1x1x16xf32>,
        %parallel_loop3A_696 = vector.shape_cast %parallel_loop3A_695 : vector<1x1x16xf32> to vector<16xf32>
        %parallel_loop3A_697 = vector.shape_cast %parallel_loop3A_661 : vector<16xf32> to vector<1x1x16xf32>
        tpu.vector_store %arg7[%parallel_loop3A_692, %parallel_loop3A_693, %parallel_loop3A_694], %parallel_loop3A_697 {add = true, strides = array<i32>} : memref<3x32x1024xf32, #tpu.memory_space<vmem>>, vector<1x1x16xf32>,
        %parallel_loop3A_698 = arith.constant 16 : i32
        %parallel_loop3A_699 = arith.muli %parallel_loop3A_477, %parallel_loop3A_698 : i32
        %parallel_loop3A_700 = arith.constant 5 : i32
        %parallel_loop3A_701 = arith.index_cast %select_n3A_333 : i32 to index
        %parallel_loop3A_702 = arith.index_cast %parallel_loop3A_700 : i32 to index
        %parallel_loop3A_703 = arith.index_cast %parallel_loop3A_699 : i32 to index
        %parallel_loop3A_704 = tpu.vector_load %arg8[%parallel_loop3A_701, %parallel_loop3A_702, %parallel_loop3A_703] {strides = array<i32>} : memref<3x8x1024xf32, #tpu.memory_space<vmem>>, vector<1x1x16xf32>,
        %parallel_loop3A_705 = vector.shape_cast %parallel_loop3A_704 : vector<1x1x16xf32> to vector<16xf32>
        %parallel_loop3A_706 = arith.constant 16 : i32
        %parallel_loop3A_707 = arith.muli %parallel_loop3A_477, %parallel_loop3A_706 : i32
        %parallel_loop3A_708 = arith.constant 5 : i32
        %parallel_loop3A_709 = arith.index_cast %select_n3A_333 : i32 to index
        %parallel_loop3A_710 = arith.index_cast %parallel_loop3A_708 : i32 to index
        %parallel_loop3A_711 = arith.index_cast %parallel_loop3A_707 : i32 to index
        %parallel_loop3A_712 = tpu.vector_load %arg7[%parallel_loop3A_709, %parallel_loop3A_710, %parallel_loop3A_711] {strides = array<i32>} : memref<3x32x1024xf32, #tpu.memory_space<vmem>>, vector<1x1x16xf32>,
        %parallel_loop3A_713 = vector.shape_cast %parallel_loop3A_712 : vector<1x1x16xf32> to vector<16xf32>
        %parallel_loop3A_714 = vector.shape_cast %parallel_loop3A_705 : vector<16xf32> to vector<1x1x16xf32>
        tpu.vector_store %arg7[%parallel_loop3A_709, %parallel_loop3A_710, %parallel_loop3A_711], %parallel_loop3A_714 {add = true, strides = array<i32>} : memref<3x32x1024xf32, #tpu.memory_space<vmem>>, vector<1x1x16xf32>,
        %parallel_loop3A_715 = arith.constant 16 : i32
        %parallel_loop3A_716 = arith.muli %parallel_loop3A_477, %parallel_loop3A_715 : i32
        %parallel_loop3A_717 = arith.constant 13 : i32
        %parallel_loop3A_718 = arith.index_cast %select_n3A_333 : i32 to index
        %parallel_loop3A_719 = arith.index_cast %parallel_loop3A_717 : i32 to index
        %parallel_loop3A_720 = arith.index_cast %parallel_loop3A_716 : i32 to index
        %parallel_loop3A_721 = tpu.vector_load %arg7[%parallel_loop3A_718, %parallel_loop3A_719, %parallel_loop3A_720] {strides = array<i32>} : memref<3x32x1024xf32, #tpu.memory_space<vmem>>, vector<1x1x16xf32>,
        %parallel_loop3A_722 = vector.shape_cast %parallel_loop3A_721 : vector<1x1x16xf32> to vector<16xf32>
        %parallel_loop3A_723 = vector.shape_cast %parallel_loop3A_705 : vector<16xf32> to vector<1x1x16xf32>
        tpu.vector_store %arg7[%parallel_loop3A_718, %parallel_loop3A_719, %parallel_loop3A_720], %parallel_loop3A_723 {add = true, strides = array<i32>} : memref<3x32x1024xf32, #tpu.memory_space<vmem>>, vector<1x1x16xf32>,
        %parallel_loop3A_724 = arith.constant 16 : i32
        %parallel_loop3A_725 = arith.muli %parallel_loop3A_477, %parallel_loop3A_724 : i32
        %parallel_loop3A_726 = arith.constant 21 : i32
        %parallel_loop3A_727 = arith.index_cast %select_n3A_333 : i32 to index
        %parallel_loop3A_728 = arith.index_cast %parallel_loop3A_726 : i32 to index
        %parallel_loop3A_729 = arith.index_cast %parallel_loop3A_725 : i32 to index
        %parallel_loop3A_730 = tpu.vector_load %arg7[%parallel_loop3A_727, %parallel_loop3A_728, %parallel_loop3A_729] {strides = array<i32>} : memref<3x32x1024xf32, #tpu.memory_space<vmem>>, vector<1x1x16xf32>,
        %parallel_loop3A_731 = vector.shape_cast %parallel_loop3A_730 : vector<1x1x16xf32> to vector<16xf32>
        %parallel_loop3A_732 = vector.shape_cast %parallel_loop3A_705 : vector<16xf32> to vector<1x1x16xf32>
        tpu.vector_store %arg7[%parallel_loop3A_727, %parallel_loop3A_728, %parallel_loop3A_729], %parallel_loop3A_732 {add = true, strides = array<i32>} : memref<3x32x1024xf32, #tpu.memory_space<vmem>>, vector<1x1x16xf32>,
        %parallel_loop3A_733 = arith.constant 16 : i32
        %parallel_loop3A_734 = arith.muli %parallel_loop3A_477, %parallel_loop3A_733 : i32
        %parallel_loop3A_735 = arith.constant 29 : i32
        %parallel_loop3A_736 = arith.index_cast %select_n3A_333 : i32 to index
        %parallel_loop3A_737 = arith.index_cast %parallel_loop3A_735 : i32 to index
        %parallel_loop3A_738 = arith.index_cast %parallel_loop3A_734 : i32 to index
        %parallel_loop3A_739 = tpu.vector_load %arg7[%parallel_loop3A_736, %parallel_loop3A_737, %parallel_loop3A_738] {strides = array<i32>} : memref<3x32x1024xf32, #tpu.memory_space<vmem>>, vector<1x1x16xf32>,
        %parallel_loop3A_740 = vector.shape_cast %parallel_loop3A_739 : vector<1x1x16xf32> to vector<16xf32>
        %parallel_loop3A_741 = vector.shape_cast %parallel_loop3A_705 : vector<16xf32> to vector<1x1x16xf32>
        tpu.vector_store %arg7[%parallel_loop3A_736, %parallel_loop3A_737, %parallel_loop3A_738], %parallel_loop3A_741 {add = true, strides = array<i32>} : memref<3x32x1024xf32, #tpu.memory_space<vmem>>, vector<1x1x16xf32>,
        %parallel_loop3A_742 = arith.constant 16 : i32
        %parallel_loop3A_743 = arith.muli %parallel_loop3A_477, %parallel_loop3A_742 : i32
        %parallel_loop3A_744 = arith.constant 6 : i32
        %parallel_loop3A_745 = arith.index_cast %select_n3A_333 : i32 to index
        %parallel_loop3A_746 = arith.index_cast %parallel_loop3A_744 : i32 to index
        %parallel_loop3A_747 = arith.index_cast %parallel_loop3A_743 : i32 to index
        %parallel_loop3A_748 = tpu.vector_load %arg8[%parallel_loop3A_745, %parallel_loop3A_746, %parallel_loop3A_747] {strides = array<i32>} : memref<3x8x1024xf32, #tpu.memory_space<vmem>>, vector<1x1x16xf32>,
        %parallel_loop3A_749 = vector.shape_cast %parallel_loop3A_748 : vector<1x1x16xf32> to vector<16xf32>
        %parallel_loop3A_750 = arith.constant 16 : i32
        %parallel_loop3A_751 = arith.muli %parallel_loop3A_477, %parallel_loop3A_750 : i32
        %parallel_loop3A_752 = arith.constant 6 : i32
        %parallel_loop3A_753 = arith.index_cast %select_n3A_333 : i32 to index
        %parallel_loop3A_754 = arith.index_cast %parallel_loop3A_752 : i32 to index
        %parallel_loop3A_755 = arith.index_cast %parallel_loop3A_751 : i32 to index
        %parallel_loop3A_756 = tpu.vector_load %arg7[%parallel_loop3A_753, %parallel_loop3A_754, %parallel_loop3A_755] {strides = array<i32>} : memref<3x32x1024xf32, #tpu.memory_space<vmem>>, vector<1x1x16xf32>,
        %parallel_loop3A_757 = vector.shape_cast %parallel_loop3A_756 : vector<1x1x16xf32> to vector<16xf32>
        %parallel_loop3A_758 = vector.shape_cast %parallel_loop3A_749 : vector<16xf32> to vector<1x1x16xf32>
        tpu.vector_store %arg7[%parallel_loop3A_753, %parallel_loop3A_754, %parallel_loop3A_755], %parallel_loop3A_758 {add = true, strides = array<i32>} : memref<3x32x1024xf32, #tpu.memory_space<vmem>>, vector<1x1x16xf32>,
        %parallel_loop3A_759 = arith.constant 16 : i32
        %parallel_loop3A_760 = arith.muli %parallel_loop3A_477, %parallel_loop3A_759 : i32
        %parallel_loop3A_761 = arith.constant 14 : i32
        %parallel_loop3A_762 = arith.index_cast %select_n3A_333 : i32 to index
        %parallel_loop3A_763 = arith.index_cast %parallel_loop3A_761 : i32 to index
        %parallel_loop3A_764 = arith.index_cast %parallel_loop3A_760 : i32 to index
        %parallel_loop3A_765 = tpu.vector_load %arg7[%parallel_loop3A_762, %parallel_loop3A_763, %parallel_loop3A_764] {strides = array<i32>} : memref<3x32x1024xf32, #tpu.memory_space<vmem>>, vector<1x1x16xf32>,
        %parallel_loop3A_766 = vector.shape_cast %parallel_loop3A_765 : vector<1x1x16xf32> to vector<16xf32>
        %parallel_loop3A_767 = vector.shape_cast %parallel_loop3A_749 : vector<16xf32> to vector<1x1x16xf32>
        tpu.vector_store %arg7[%parallel_loop3A_762, %parallel_loop3A_763, %parallel_loop3A_764], %parallel_loop3A_767 {add = true, strides = array<i32>} : memref<3x32x1024xf32, #tpu.memory_space<vmem>>, vector<1x1x16xf32>,
        %parallel_loop3A_768 = arith.constant 16 : i32
        %parallel_loop3A_769 = arith.muli %parallel_loop3A_477, %parallel_loop3A_768 : i32
        %parallel_loop3A_770 = arith.constant 22 : i32
        %parallel_loop3A_771 = arith.index_cast %select_n3A_333 : i32 to index
        %parallel_loop3A_772 = arith.index_cast %parallel_loop3A_770 : i32 to index
        %parallel_loop3A_773 = arith.index_cast %parallel_loop3A_769 : i32 to index
        %parallel_loop3A_774 = tpu.vector_load %arg7[%parallel_loop3A_771, %parallel_loop3A_772, %parallel_loop3A_773] {strides = array<i32>} : memref<3x32x1024xf32, #tpu.memory_space<vmem>>, vector<1x1x16xf32>,
        %parallel_loop3A_775 = vector.shape_cast %parallel_loop3A_774 : vector<1x1x16xf32> to vector<16xf32>
        %parallel_loop3A_776 = vector.shape_cast %parallel_loop3A_749 : vector<16xf32> to vector<1x1x16xf32>
        tpu.vector_store %arg7[%parallel_loop3A_771, %parallel_loop3A_772, %parallel_loop3A_773], %parallel_loop3A_776 {add = true, strides = array<i32>} : memref<3x32x1024xf32, #tpu.memory_space<vmem>>, vector<1x1x16xf32>,
        %parallel_loop3A_777 = arith.constant 16 : i32
        %parallel_loop3A_778 = arith.muli %parallel_loop3A_477, %parallel_loop3A_777 : i32
        %parallel_loop3A_779 = arith.constant 30 : i32
        %parallel_loop3A_780 = arith.index_cast %select_n3A_333 : i32 to index
        %parallel_loop3A_781 = arith.index_cast %parallel_loop3A_779 : i32 to index
        %parallel_loop3A_782 = arith.index_cast %parallel_loop3A_778 : i32 to index
        %parallel_loop3A_783 = tpu.vector_load %arg7[%parallel_loop3A_780, %parallel_loop3A_781, %parallel_loop3A_782] {strides = array<i32>} : memref<3x32x1024xf32, #tpu.memory_space<vmem>>, vector<1x1x16xf32>,
        %parallel_loop3A_784 = vector.shape_cast %parallel_loop3A_783 : vector<1x1x16xf32> to vector<16xf32>
        %parallel_loop3A_785 = vector.shape_cast %parallel_loop3A_749 : vector<16xf32> to vector<1x1x16xf32>
        tpu.vector_store %arg7[%parallel_loop3A_780, %parallel_loop3A_781, %parallel_loop3A_782], %parallel_loop3A_785 {add = true, strides = array<i32>} : memref<3x32x1024xf32, #tpu.memory_space<vmem>>, vector<1x1x16xf32>,
        %parallel_loop3A_786 = arith.constant 16 : i32
        %parallel_loop3A_787 = arith.muli %parallel_loop3A_477, %parallel_loop3A_786 : i32
        %parallel_loop3A_788 = arith.constant 7 : i32
        %parallel_loop3A_789 = arith.index_cast %select_n3A_333 : i32 to index
        %parallel_loop3A_790 = arith.index_cast %parallel_loop3A_788 : i32 to index
        %parallel_loop3A_791 = arith.index_cast %parallel_loop3A_787 : i32 to index
        %parallel_loop3A_792 = tpu.vector_load %arg8[%parallel_loop3A_789, %parallel_loop3A_790, %parallel_loop3A_791] {strides = array<i32>} : memref<3x8x1024xf32, #tpu.memory_space<vmem>>, vector<1x1x16xf32>,
        %parallel_loop3A_793 = vector.shape_cast %parallel_loop3A_792 : vector<1x1x16xf32> to vector<16xf32>
        %parallel_loop3A_794 = arith.constant 16 : i32
        %parallel_loop3A_795 = arith.muli %parallel_loop3A_477, %parallel_loop3A_794 : i32
        %parallel_loop3A_796 = arith.constant 7 : i32
        %parallel_loop3A_797 = arith.index_cast %select_n3A_333 : i32 to index
        %parallel_loop3A_798 = arith.index_cast %parallel_loop3A_796 : i32 to index
        %parallel_loop3A_799 = arith.index_cast %parallel_loop3A_795 : i32 to index
        %parallel_loop3A_800 = tpu.vector_load %arg7[%parallel_loop3A_797, %parallel_loop3A_798, %parallel_loop3A_799] {strides = array<i32>} : memref<3x32x1024xf32, #tpu.memory_space<vmem>>, vector<1x1x16xf32>,
        %parallel_loop3A_801 = vector.shape_cast %parallel_loop3A_800 : vector<1x1x16xf32> to vector<16xf32>
        %parallel_loop3A_802 = vector.shape_cast %parallel_loop3A_793 : vector<16xf32> to vector<1x1x16xf32>
        tpu.vector_store %arg7[%parallel_loop3A_797, %parallel_loop3A_798, %parallel_loop3A_799], %parallel_loop3A_802 {add = true, strides = array<i32>} : memref<3x32x1024xf32, #tpu.memory_space<vmem>>, vector<1x1x16xf32>,
        %parallel_loop3A_803 = arith.constant 16 : i32
        %parallel_loop3A_804 = arith.muli %parallel_loop3A_477, %parallel_loop3A_803 : i32
        %parallel_loop3A_805 = arith.constant 15 : i32
        %parallel_loop3A_806 = arith.index_cast %select_n3A_333 : i32 to index
        %parallel_loop3A_807 = arith.index_cast %parallel_loop3A_805 : i32 to index
        %parallel_loop3A_808 = arith.index_cast %parallel_loop3A_804 : i32 to index
        %parallel_loop3A_809 = tpu.vector_load %arg7[%parallel_loop3A_806, %parallel_loop3A_807, %parallel_loop3A_808] {strides = array<i32>} : memref<3x32x1024xf32, #tpu.memory_space<vmem>>, vector<1x1x16xf32>,
        %parallel_loop3A_810 = vector.shape_cast %parallel_loop3A_809 : vector<1x1x16xf32> to vector<16xf32>
        %parallel_loop3A_811 = vector.shape_cast %parallel_loop3A_793 : vector<16xf32> to vector<1x1x16xf32>
        tpu.vector_store %arg7[%parallel_loop3A_806, %parallel_loop3A_807, %parallel_loop3A_808], %parallel_loop3A_811 {add = true, strides = array<i32>} : memref<3x32x1024xf32, #tpu.memory_space<vmem>>, vector<1x1x16xf32>,
        %parallel_loop3A_812 = arith.constant 16 : i32
        %parallel_loop3A_813 = arith.muli %parallel_loop3A_477, %parallel_loop3A_812 : i32
        %parallel_loop3A_814 = arith.constant 23 : i32
        %parallel_loop3A_815 = arith.index_cast %select_n3A_333 : i32 to index
        %parallel_loop3A_816 = arith.index_cast %parallel_loop3A_814 : i32 to index
        %parallel_loop3A_817 = arith.index_cast %parallel_loop3A_813 : i32 to index
        %parallel_loop3A_818 = tpu.vector_load %arg7[%parallel_loop3A_815, %parallel_loop3A_816, %parallel_loop3A_817] {strides = array<i32>} : memref<3x32x1024xf32, #tpu.memory_space<vmem>>, vector<1x1x16xf32>,
        %parallel_loop3A_819 = vector.shape_cast %parallel_loop3A_818 : vector<1x1x16xf32> to vector<16xf32>
        %parallel_loop3A_820 = vector.shape_cast %parallel_loop3A_793 : vector<16xf32> to vector<1x1x16xf32>
        tpu.vector_store %arg7[%parallel_loop3A_815, %parallel_loop3A_816, %parallel_loop3A_817], %parallel_loop3A_820 {add = true, strides = array<i32>} : memref<3x32x1024xf32, #tpu.memory_space<vmem>>, vector<1x1x16xf32>,
        %parallel_loop3A_821 = arith.constant 16 : i32
        %parallel_loop3A_822 = arith.muli %parallel_loop3A_477, %parallel_loop3A_821 : i32
        %parallel_loop3A_823 = arith.constant 31 : i32
        %parallel_loop3A_824 = arith.index_cast %select_n3A_333 : i32 to index
        %parallel_loop3A_825 = arith.index_cast %parallel_loop3A_823 : i32 to index
        %parallel_loop3A_826 = arith.index_cast %parallel_loop3A_822 : i32 to index
        %parallel_loop3A_827 = tpu.vector_load %arg7[%parallel_loop3A_824, %parallel_loop3A_825, %parallel_loop3A_826] {strides = array<i32>} : memref<3x32x1024xf32, #tpu.memory_space<vmem>>, vector<1x1x16xf32>,
        %parallel_loop3A_828 = vector.shape_cast %parallel_loop3A_827 : vector<1x1x16xf32> to vector<16xf32>
        %parallel_loop3A_829 = vector.shape_cast %parallel_loop3A_793 : vector<16xf32> to vector<1x1x16xf32>
        tpu.vector_store %arg7[%parallel_loop3A_824, %parallel_loop3A_825, %parallel_loop3A_826], %parallel_loop3A_829 {add = true, strides = array<i32>} : memref<3x32x1024xf32, #tpu.memory_space<vmem>>, vector<1x1x16xf32>,
      } {sc.loop_unroll_factor = 2 : i64, sc.parallel_access}
      %mul3A_397 = arith.constant 8 : i32
      %mul3A_398 = arith.muli %scan3A_324, %mul3A_397 : i32
      %add3A_399 = arith.addi %mul3A_2, %mul3A_398 : i32
      %dma_start3A_400 = arith.constant 0 : i32
      %dma_start3A_401 = arith.constant 0 : i32
      %dma_start3A_402 = arith.constant 0 : i32
      %dma_start3A_403 = tpu.memref_slice %arg7[%select_n3A_333, %dma_start3A_401, %dma_start3A_402] : memref<3x32x1024xf32, #tpu.memory_space<vmem>> -> memref<1x8x1024xf32, #tpu.memory_space<vmem>>
      %dma_start3A_404 = tpu.memref_squeeze %dma_start3A_403 : memref<1x8x1024xf32, #tpu.memory_space<vmem>> -> memref<8x1024xf32, #tpu.memory_space<vmem>>
      %dma_start3A_405 = arith.constant 0 : i32
      %dma_start3A_406 = tpu.memref_slice %arg5[%dma_start3A_400, %add3A_399, %dma_start3A_405] : memref<4x2048x1024xf32, #tpu.memory_space<hbm>> -> memref<1x8x1024xf32, #tpu.memory_space<hbm>>
      %dma_start3A_407 = tpu.memref_squeeze %dma_start3A_406 : memref<1x8x1024xf32, #tpu.memory_space<hbm>> -> memref<8x1024xf32, #tpu.memory_space<hbm>>
      %dma_start3A_408 = tpu.memref_slice %arg11[%select_n3A_333] : memref<3x!tpu.dma_semaphore, #tpu.memory_space<semaphore_mem>> -> memref<1x!tpu.dma_semaphore, #tpu.memory_space<semaphore_mem>>
      %dma_start3A_409 = tpu.memref_squeeze %dma_start3A_408 : memref<1x!tpu.dma_semaphore, #tpu.memory_space<semaphore_mem>> -> memref<!tpu.dma_semaphore, #tpu.memory_space<semaphore_mem>>
      %dma_start3A_410 = arith.constant 0 : i32
      %dma_start3A_411 = tpu.memref_slice %arg5[%dma_start3A_400, %add3A_399, %dma_start3A_410] : memref<4x2048x1024xf32, #tpu.memory_space<hbm>> -> memref<1x8x1024xf32, #tpu.memory_space<hbm>>
      %dma_start3A_412 = tpu.memref_squeeze %dma_start3A_411 : memref<1x8x1024xf32, #tpu.memory_space<hbm>> -> memref<8x1024xf32, #tpu.memory_space<hbm>>
      %dma_start3A_413 = arith.constant 0 : i32
      %dma_start3A_414 = arith.constant 0 : i32
      %dma_start3A_415 = tpu.memref_slice %arg7[%select_n3A_333, %dma_start3A_413, %dma_start3A_414] : memref<3x32x1024xf32, #tpu.memory_space<vmem>> -> memref<1x8x1024xf32, #tpu.memory_space<vmem>>
      %dma_start3A_416 = tpu.memref_squeeze %dma_start3A_415 : memref<1x8x1024xf32, #tpu.memory_space<vmem>> -> memref<8x1024xf32, #tpu.memory_space<vmem>>
      tpu.enqueue_dma source(%dma_start3A_416 : memref<8x1024xf32, #tpu.memory_space<vmem>>) target(%dma_start3A_412 : memref<8x1024xf32, #tpu.memory_space<hbm>>) target_semaphore(%dma_start3A_409 : memref<!tpu.dma_semaphore, #tpu.memory_space<semaphore_mem>>)
      %mul3A_417 = arith.constant 8 : i32
      %mul3A_418 = arith.muli %scan3A_324, %mul3A_417 : i32
      %add3A_419 = arith.addi %mul3A_2, %mul3A_418 : i32
      %dma_start3A_420 = arith.constant 1 : i32
      %dma_start3A_421 = arith.constant 8 : i32
      %dma_start3A_422 = arith.constant 0 : i32
      %dma_start3A_423 = tpu.memref_slice %arg7[%select_n3A_333, %dma_start3A_421, %dma_start3A_422] : memref<3x32x1024xf32, #tpu.memory_space<vmem>> -> memref<1x8x1024xf32, #tpu.memory_space<vmem>>
      %dma_start3A_424 = tpu.memref_squeeze %dma_start3A_423 : memref<1x8x1024xf32, #tpu.memory_space<vmem>> -> memref<8x1024xf32, #tpu.memory_space<vmem>>
      %dma_start3A_425 = arith.constant 0 : i32
      %dma_start3A_426 = tpu.memref_slice %arg5[%dma_start3A_420, %add3A_419, %dma_start3A_425] : memref<4x2048x1024xf32, #tpu.memory_space<hbm>> -> memref<1x8x1024xf32, #tpu.memory_space<hbm>>
      %dma_start3A_427 = tpu.memref_squeeze %dma_start3A_426 : memref<1x8x1024xf32, #tpu.memory_space<hbm>> -> memref<8x1024xf32, #tpu.memory_space<hbm>>
      %dma_start3A_428 = tpu.memref_slice %arg11[%select_n3A_333] : memref<3x!tpu.dma_semaphore, #tpu.memory_space<semaphore_mem>> -> memref<1x!tpu.dma_semaphore, #tpu.memory_space<semaphore_mem>>
      %dma_start3A_429 = tpu.memref_squeeze %dma_start3A_428 : memref<1x!tpu.dma_semaphore, #tpu.memory_space<semaphore_mem>> -> memref<!tpu.dma_semaphore, #tpu.memory_space<semaphore_mem>>
      %dma_start3A_430 = arith.constant 0 : i32
      %dma_start3A_431 = tpu.memref_slice %arg5[%dma_start3A_420, %add3A_419, %dma_start3A_430] : memref<4x2048x1024xf32, #tpu.memory_space<hbm>> -> memref<1x8x1024xf32, #tpu.memory_space<hbm>>
      %dma_start3A_432 = tpu.memref_squeeze %dma_start3A_431 : memref<1x8x1024xf32, #tpu.memory_space<hbm>> -> memref<8x1024xf32, #tpu.memory_space<hbm>>
      %dma_start3A_433 = arith.constant 8 : i32
      %dma_start3A_434 = arith.constant 0 : i32
      %dma_start3A_435 = tpu.memref_slice %arg7[%select_n3A_333, %dma_start3A_433, %dma_start3A_434] : memref<3x32x1024xf32, #tpu.memory_space<vmem>> -> memref<1x8x1024xf32, #tpu.memory_space<vmem>>
      %dma_start3A_436 = tpu.memref_squeeze %dma_start3A_435 : memref<1x8x1024xf32, #tpu.memory_space<vmem>> -> memref<8x1024xf32, #tpu.memory_space<vmem>>
      tpu.enqueue_dma source(%dma_start3A_436 : memref<8x1024xf32, #tpu.memory_space<vmem>>) target(%dma_start3A_432 : memref<8x1024xf32, #tpu.memory_space<hbm>>) target_semaphore(%dma_start3A_429 : memref<!tpu.dma_semaphore, #tpu.memory_space<semaphore_mem>>)
      %mul3A_437 = arith.constant 8 : i32
      %mul3A_438 = arith.muli %scan3A_324, %mul3A_437 : i32
      %add3A_439 = arith.addi %mul3A_2, %mul3A_438 : i32
      %dma_start3A_440 = arith.constant 2 : i32
      %dma_start3A_441 = arith.constant 16 : i32
      %dma_start3A_442 = arith.constant 0 : i32
      %dma_start3A_443 = tpu.memref_slice %arg7[%select_n3A_333, %dma_start3A_441, %dma_start3A_442] : memref<3x32x1024xf32, #tpu.memory_space<vmem>> -> memref<1x8x1024xf32, #tpu.memory_space<vmem>>
      %dma_start3A_444 = tpu.memref_squeeze %dma_start3A_443 : memref<1x8x1024xf32, #tpu.memory_space<vmem>> -> memref<8x1024xf32, #tpu.memory_space<vmem>>
      %dma_start3A_445 = arith.constant 0 : i32
      %dma_start3A_446 = tpu.memref_slice %arg5[%dma_start3A_440, %add3A_439, %dma_start3A_445] : memref<4x2048x1024xf32, #tpu.memory_space<hbm>> -> memref<1x8x1024xf32, #tpu.memory_space<hbm>>
      %dma_start3A_447 = tpu.memref_squeeze %dma_start3A_446 : memref<1x8x1024xf32, #tpu.memory_space<hbm>> -> memref<8x1024xf32, #tpu.memory_space<hbm>>
      %dma_start3A_448 = tpu.memref_slice %arg11[%select_n3A_333] : memref<3x!tpu.dma_semaphore, #tpu.memory_space<semaphore_mem>> -> memref<1x!tpu.dma_semaphore, #tpu.memory_space<semaphore_mem>>
      %dma_start3A_449 = tpu.memref_squeeze %dma_start3A_448 : memref<1x!tpu.dma_semaphore, #tpu.memory_space<semaphore_mem>> -> memref<!tpu.dma_semaphore, #tpu.memory_space<semaphore_mem>>
      %dma_start3A_450 = arith.constant 0 : i32
      %dma_start3A_451 = tpu.memref_slice %arg5[%dma_start3A_440, %add3A_439, %dma_start3A_450] : memref<4x2048x1024xf32, #tpu.memory_space<hbm>> -> memref<1x8x1024xf32, #tpu.memory_space<hbm>>
      %dma_start3A_452 = tpu.memref_squeeze %dma_start3A_451 : memref<1x8x1024xf32, #tpu.memory_space<hbm>> -> memref<8x1024xf32, #tpu.memory_space<hbm>>
      %dma_start3A_453 = arith.constant 16 : i32
      %dma_start3A_454 = arith.constant 0 : i32
      %dma_start3A_455 = tpu.memref_slice %arg7[%select_n3A_333, %dma_start3A_453, %dma_start3A_454] : memref<3x32x1024xf32, #tpu.memory_space<vmem>> -> memref<1x8x1024xf32, #tpu.memory_space<vmem>>
      %dma_start3A_456 = tpu.memref_squeeze %dma_start3A_455 : memref<1x8x1024xf32, #tpu.memory_space<vmem>> -> memref<8x1024xf32, #tpu.memory_space<vmem>>
      tpu.enqueue_dma source(%dma_start3A_456 : memref<8x1024xf32, #tpu.memory_space<vmem>>) target(%dma_start3A_452 : memref<8x1024xf32, #tpu.memory_space<hbm>>) target_semaphore(%dma_start3A_449 : memref<!tpu.dma_semaphore, #tpu.memory_space<semaphore_mem>>)
      %mul3A_457 = arith.constant 8 : i32
      %mul3A_458 = arith.muli %scan3A_324, %mul3A_457 : i32
      %add3A_459 = arith.addi %mul3A_2, %mul3A_458 : i32
      %dma_start3A_460 = arith.constant 3 : i32
      %dma_start3A_461 = arith.constant 24 : i32
      %dma_start3A_462 = arith.constant 0 : i32
      %dma_start3A_463 = tpu.memref_slice %arg7[%select_n3A_333, %dma_start3A_461, %dma_start3A_462] : memref<3x32x1024xf32, #tpu.memory_space<vmem>> -> memref<1x8x1024xf32, #tpu.memory_space<vmem>>
      %dma_start3A_464 = tpu.memref_squeeze %dma_start3A_463 : memref<1x8x1024xf32, #tpu.memory_space<vmem>> -> memref<8x1024xf32, #tpu.memory_space<vmem>>
      %dma_start3A_465 = arith.constant 0 : i32
      %dma_start3A_466 = tpu.memref_slice %arg5[%dma_start3A_460, %add3A_459, %dma_start3A_465] : memref<4x2048x1024xf32, #tpu.memory_space<hbm>> -> memref<1x8x1024xf32, #tpu.memory_space<hbm>>
      %dma_start3A_467 = tpu.memref_squeeze %dma_start3A_466 : memref<1x8x1024xf32, #tpu.memory_space<hbm>> -> memref<8x1024xf32, #tpu.memory_space<hbm>>
      %dma_start3A_468 = tpu.memref_slice %arg11[%select_n3A_333] : memref<3x!tpu.dma_semaphore, #tpu.memory_space<semaphore_mem>> -> memref<1x!tpu.dma_semaphore, #tpu.memory_space<semaphore_mem>>
      %dma_start3A_469 = tpu.memref_squeeze %dma_start3A_468 : memref<1x!tpu.dma_semaphore, #tpu.memory_space<semaphore_mem>> -> memref<!tpu.dma_semaphore, #tpu.memory_space<semaphore_mem>>
      %dma_start3A_470 = arith.constant 0 : i32
      %dma_start3A_471 = tpu.memref_slice %arg5[%dma_start3A_460, %add3A_459, %dma_start3A_470] : memref<4x2048x1024xf32, #tpu.memory_space<hbm>> -> memref<1x8x1024xf32, #tpu.memory_space<hbm>>
      %dma_start3A_472 = tpu.memref_squeeze %dma_start3A_471 : memref<1x8x1024xf32, #tpu.memory_space<hbm>> -> memref<8x1024xf32, #tpu.memory_space<hbm>>
      %dma_start3A_473 = arith.constant 24 : i32
      %dma_start3A_474 = arith.constant 0 : i32
      %dma_start3A_475 = tpu.memref_slice %arg7[%select_n3A_333, %dma_start3A_473, %dma_start3A_474] : memref<3x32x1024xf32, #tpu.memory_space<vmem>> -> memref<1x8x1024xf32, #tpu.memory_space<vmem>>
      %dma_start3A_476 = tpu.memref_squeeze %dma_start3A_475 : memref<1x8x1024xf32, #tpu.memory_space<vmem>> -> memref<8x1024xf32, #tpu.memory_space<vmem>>
      tpu.enqueue_dma source(%dma_start3A_476 : memref<8x1024xf32, #tpu.memory_space<vmem>>) target(%dma_start3A_472 : memref<8x1024xf32, #tpu.memory_space<hbm>>) target_semaphore(%dma_start3A_469 : memref<!tpu.dma_semaphore, #tpu.memory_space<semaphore_mem>>)
    }
    %scan3A_72 = arith.constant 8 : i32
    %add3A_73 = arith.constant 40 : i32
    %add3A_74 = arith.addi %mul3A_2, %add3A_73 : i32
    %dma_wait3A = arith.constant 2 : i32
    %dma_wait3A_75 = arith.constant 0 : i32
    %dma_wait3A_76 = arith.constant 2 : i32
    %dma_wait3A_77 = arith.constant 0 : i32
    %dma_wait3A_78 = arith.constant 0 : i32
    %dma_wait3A_79 = tpu.memref_slice %arg7[%dma_wait3A, %dma_wait3A_77, %dma_wait3A_78] : memref<3x32x1024xf32, #tpu.memory_space<vmem>> -> memref<1x8x1024xf32, #tpu.memory_space<vmem>>
    %dma_wait3A_80 = tpu.memref_squeeze %dma_wait3A_79 : memref<1x8x1024xf32, #tpu.memory_space<vmem>> -> memref<8x1024xf32, #tpu.memory_space<vmem>>
    %dma_wait3A_81 = arith.constant 0 : i32
    %dma_wait3A_82 = tpu.memref_slice %arg5[%dma_wait3A_75, %add3A_74, %dma_wait3A_81] : memref<4x2048x1024xf32, #tpu.memory_space<hbm>> -> memref<1x8x1024xf32, #tpu.memory_space<hbm>>
    %dma_wait3A_83 = tpu.memref_squeeze %dma_wait3A_82 : memref<1x8x1024xf32, #tpu.memory_space<hbm>> -> memref<8x1024xf32, #tpu.memory_space<hbm>>
    %dma_wait3A_84 = tpu.memref_slice %arg11[%dma_wait3A_76] : memref<3x!tpu.dma_semaphore, #tpu.memory_space<semaphore_mem>> -> memref<1x!tpu.dma_semaphore, #tpu.memory_space<semaphore_mem>>
    %dma_wait3A_85 = tpu.memref_squeeze %dma_wait3A_84 : memref<1x!tpu.dma_semaphore, #tpu.memory_space<semaphore_mem>> -> memref<!tpu.dma_semaphore, #tpu.memory_space<semaphore_mem>>
    %dma_wait3A_86 = arith.constant 0 : i32
    %dma_wait3A_87 = tpu.memref_slice %arg5[%dma_wait3A_75, %add3A_74, %dma_wait3A_86] : memref<4x2048x1024xf32, #tpu.memory_space<hbm>> -> memref<1x8x1024xf32, #tpu.memory_space<hbm>>
    %dma_wait3A_88 = tpu.memref_squeeze %dma_wait3A_87 : memref<1x8x1024xf32, #tpu.memory_space<hbm>> -> memref<8x1024xf32, #tpu.memory_space<hbm>>
    %dma_wait3A_89 = arith.constant 0 : i32
    %dma_wait3A_90 = arith.constant 0 : i32
    %dma_wait3A_91 = tpu.memref_slice %arg7[%dma_wait3A, %dma_wait3A_89, %dma_wait3A_90] : memref<3x32x1024xf32, #tpu.memory_space<vmem>> -> memref<1x8x1024xf32, #tpu.memory_space<vmem>>
    %dma_wait3A_92 = tpu.memref_squeeze %dma_wait3A_91 : memref<1x8x1024xf32, #tpu.memory_space<vmem>> -> memref<8x1024xf32, #tpu.memory_space<vmem>>
    tpu.wait_dma2 semaphore(%dma_wait3A_85 : memref<!tpu.dma_semaphore, #tpu.memory_space<semaphore_mem>>) src(%dma_wait3A_92 : memref<8x1024xf32, #tpu.memory_space<vmem>>) dst(%dma_wait3A_88 : memref<8x1024xf32, #tpu.memory_space<hbm>>)
    %add3A_93 = arith.constant 40 : i32
    %add3A_94 = arith.addi %mul3A_2, %add3A_93 : i32
    %dma_wait3A_95 = arith.constant 2 : i32
    %dma_wait3A_96 = arith.constant 1 : i32
    %dma_wait3A_97 = arith.constant 2 : i32
    %dma_wait3A_98 = arith.constant 8 : i32
    %dma_wait3A_99 = arith.constant 0 : i32
    %dma_wait3A_100 = tpu.memref_slice %arg7[%dma_wait3A_95, %dma_wait3A_98, %dma_wait3A_99] : memref<3x32x1024xf32, #tpu.memory_space<vmem>> -> memref<1x8x1024xf32, #tpu.memory_space<vmem>>
    %dma_wait3A_101 = tpu.memref_squeeze %dma_wait3A_100 : memref<1x8x1024xf32, #tpu.memory_space<vmem>> -> memref<8x1024xf32, #tpu.memory_space<vmem>>
    %dma_wait3A_102 = arith.constant 0 : i32
    %dma_wait3A_103 = tpu.memref_slice %arg5[%dma_wait3A_96, %add3A_94, %dma_wait3A_102] : memref<4x2048x1024xf32, #tpu.memory_space<hbm>> -> memref<1x8x1024xf32, #tpu.memory_space<hbm>>
    %dma_wait3A_104 = tpu.memref_squeeze %dma_wait3A_103 : memref<1x8x1024xf32, #tpu.memory_space<hbm>> -> memref<8x1024xf32, #tpu.memory_space<hbm>>
    %dma_wait3A_105 = tpu.memref_slice %arg11[%dma_wait3A_97] : memref<3x!tpu.dma_semaphore, #tpu.memory_space<semaphore_mem>> -> memref<1x!tpu.dma_semaphore, #tpu.memory_space<semaphore_mem>>
    %dma_wait3A_106 = tpu.memref_squeeze %dma_wait3A_105 : memref<1x!tpu.dma_semaphore, #tpu.memory_space<semaphore_mem>> -> memref<!tpu.dma_semaphore, #tpu.memory_space<semaphore_mem>>
    %dma_wait3A_107 = arith.constant 0 : i32
    %dma_wait3A_108 = tpu.memref_slice %arg5[%dma_wait3A_96, %add3A_94, %dma_wait3A_107] : memref<4x2048x1024xf32, #tpu.memory_space<hbm>> -> memref<1x8x1024xf32, #tpu.memory_space<hbm>>
    %dma_wait3A_109 = tpu.memref_squeeze %dma_wait3A_108 : memref<1x8x1024xf32, #tpu.memory_space<hbm>> -> memref<8x1024xf32, #tpu.memory_space<hbm>>
    %dma_wait3A_110 = arith.constant 8 : i32
    %dma_wait3A_111 = arith.constant 0 : i32
    %dma_wait3A_112 = tpu.memref_slice %arg7[%dma_wait3A_95, %dma_wait3A_110, %dma_wait3A_111] : memref<3x32x1024xf32, #tpu.memory_space<vmem>> -> memref<1x8x1024xf32, #tpu.memory_space<vmem>>
    %dma_wait3A_113 = tpu.memref_squeeze %dma_wait3A_112 : memref<1x8x1024xf32, #tpu.memory_space<vmem>> -> memref<8x1024xf32, #tpu.memory_space<vmem>>
    tpu.wait_dma2 semaphore(%dma_wait3A_106 : memref<!tpu.dma_semaphore, #tpu.memory_space<semaphore_mem>>) src(%dma_wait3A_113 : memref<8x1024xf32, #tpu.memory_space<vmem>>) dst(%dma_wait3A_109 : memref<8x1024xf32, #tpu.memory_space<hbm>>)
    %add3A_114 = arith.constant 40 : i32
    %add3A_115 = arith.addi %mul3A_2, %add3A_114 : i32
    %dma_wait3A_116 = arith.constant 2 : i32
    %dma_wait3A_117 = arith.constant 2 : i32
    %dma_wait3A_118 = arith.constant 2 : i32
    %dma_wait3A_119 = arith.constant 16 : i32
    %dma_wait3A_120 = arith.constant 0 : i32
    %dma_wait3A_121 = tpu.memref_slice %arg7[%dma_wait3A_116, %dma_wait3A_119, %dma_wait3A_120] : memref<3x32x1024xf32, #tpu.memory_space<vmem>> -> memref<1x8x1024xf32, #tpu.memory_space<vmem>>
    %dma_wait3A_122 = tpu.memref_squeeze %dma_wait3A_121 : memref<1x8x1024xf32, #tpu.memory_space<vmem>> -> memref<8x1024xf32, #tpu.memory_space<vmem>>
    %dma_wait3A_123 = arith.constant 0 : i32
    %dma_wait3A_124 = tpu.memref_slice %arg5[%dma_wait3A_117, %add3A_115, %dma_wait3A_123] : memref<4x2048x1024xf32, #tpu.memory_space<hbm>> -> memref<1x8x1024xf32, #tpu.memory_space<hbm>>
    %dma_wait3A_125 = tpu.memref_squeeze %dma_wait3A_124 : memref<1x8x1024xf32, #tpu.memory_space<hbm>> -> memref<8x1024xf32, #tpu.memory_space<hbm>>
    %dma_wait3A_126 = tpu.memref_slice %arg11[%dma_wait3A_118] : memref<3x!tpu.dma_semaphore, #tpu.memory_space<semaphore_mem>> -> memref<1x!tpu.dma_semaphore, #tpu.memory_space<semaphore_mem>>
    %dma_wait3A_127 = tpu.memref_squeeze %dma_wait3A_126 : memref<1x!tpu.dma_semaphore, #tpu.memory_space<semaphore_mem>> -> memref<!tpu.dma_semaphore, #tpu.memory_space<semaphore_mem>>
    %dma_wait3A_128 = arith.constant 0 : i32
    %dma_wait3A_129 = tpu.memref_slice %arg5[%dma_wait3A_117, %add3A_115, %dma_wait3A_128] : memref<4x2048x1024xf32, #tpu.memory_space<hbm>> -> memref<1x8x1024xf32, #tpu.memory_space<hbm>>
    %dma_wait3A_130 = tpu.memref_squeeze %dma_wait3A_129 : memref<1x8x1024xf32, #tpu.memory_space<hbm>> -> memref<8x1024xf32, #tpu.memory_space<hbm>>
    %dma_wait3A_131 = arith.constant 16 : i32
    %dma_wait3A_132 = arith.constant 0 : i32
    %dma_wait3A_133 = tpu.memref_slice %arg7[%dma_wait3A_116, %dma_wait3A_131, %dma_wait3A_132] : memref<3x32x1024xf32, #tpu.memory_space<vmem>> -> memref<1x8x1024xf32, #tpu.memory_space<vmem>>
    %dma_wait3A_134 = tpu.memref_squeeze %dma_wait3A_133 : memref<1x8x1024xf32, #tpu.memory_space<vmem>> -> memref<8x1024xf32, #tpu.memory_space<vmem>>
    tpu.wait_dma2 semaphore(%dma_wait3A_127 : memref<!tpu.dma_semaphore, #tpu.memory_space<semaphore_mem>>) src(%dma_wait3A_134 : memref<8x1024xf32, #tpu.memory_space<vmem>>) dst(%dma_wait3A_130 : memref<8x1024xf32, #tpu.memory_space<hbm>>)
    %add3A_135 = arith.constant 40 : i32
    %add3A_136 = arith.addi %mul3A_2, %add3A_135 : i32
    %dma_wait3A_137 = arith.constant 2 : i32
    %dma_wait3A_138 = arith.constant 3 : i32
    %dma_wait3A_139 = arith.constant 2 : i32
    %dma_wait3A_140 = arith.constant 24 : i32
    %dma_wait3A_141 = arith.constant 0 : i32
    %dma_wait3A_142 = tpu.memref_slice %arg7[%dma_wait3A_137, %dma_wait3A_140, %dma_wait3A_141] : memref<3x32x1024xf32, #tpu.memory_space<vmem>> -> memref<1x8x1024xf32, #tpu.memory_space<vmem>>
    %dma_wait3A_143 = tpu.memref_squeeze %dma_wait3A_142 : memref<1x8x1024xf32, #tpu.memory_space<vmem>> -> memref<8x1024xf32, #tpu.memory_space<vmem>>
    %dma_wait3A_144 = arith.constant 0 : i32
    %dma_wait3A_145 = tpu.memref_slice %arg5[%dma_wait3A_138, %add3A_136, %dma_wait3A_144] : memref<4x2048x1024xf32, #tpu.memory_space<hbm>> -> memref<1x8x1024xf32, #tpu.memory_space<hbm>>
    %dma_wait3A_146 = tpu.memref_squeeze %dma_wait3A_145 : memref<1x8x1024xf32, #tpu.memory_space<hbm>> -> memref<8x1024xf32, #tpu.memory_space<hbm>>
    %dma_wait3A_147 = tpu.memref_slice %arg11[%dma_wait3A_139] : memref<3x!tpu.dma_semaphore, #tpu.memory_space<semaphore_mem>> -> memref<1x!tpu.dma_semaphore, #tpu.memory_space<semaphore_mem>>
    %dma_wait3A_148 = tpu.memref_squeeze %dma_wait3A_147 : memref<1x!tpu.dma_semaphore, #tpu.memory_space<semaphore_mem>> -> memref<!tpu.dma_semaphore, #tpu.memory_space<semaphore_mem>>
    %dma_wait3A_149 = arith.constant 0 : i32
    %dma_wait3A_150 = tpu.memref_slice %arg5[%dma_wait3A_138, %add3A_136, %dma_wait3A_149] : memref<4x2048x1024xf32, #tpu.memory_space<hbm>> -> memref<1x8x1024xf32, #tpu.memory_space<hbm>>
    %dma_wait3A_151 = tpu.memref_squeeze %dma_wait3A_150 : memref<1x8x1024xf32, #tpu.memory_space<hbm>> -> memref<8x1024xf32, #tpu.memory_space<hbm>>
    %dma_wait3A_152 = arith.constant 24 : i32
    %dma_wait3A_153 = arith.constant 0 : i32
    %dma_wait3A_154 = tpu.memref_slice %arg7[%dma_wait3A_137, %dma_wait3A_152, %dma_wait3A_153] : memref<3x32x1024xf32, #tpu.memory_space<vmem>> -> memref<1x8x1024xf32, #tpu.memory_space<vmem>>
    %dma_wait3A_155 = tpu.memref_squeeze %dma_wait3A_154 : memref<1x8x1024xf32, #tpu.memory_space<vmem>> -> memref<8x1024xf32, #tpu.memory_space<vmem>>
    tpu.wait_dma2 semaphore(%dma_wait3A_148 : memref<!tpu.dma_semaphore, #tpu.memory_space<semaphore_mem>>) src(%dma_wait3A_155 : memref<8x1024xf32, #tpu.memory_space<vmem>>) dst(%dma_wait3A_151 : memref<8x1024xf32, #tpu.memory_space<hbm>>)
    %add3A_156 = arith.constant 48 : i32
    %add3A_157 = arith.addi %mul3A_2, %add3A_156 : i32
    %dma_wait3A_158 = arith.constant 0 : i32
    %dma_wait3A_159 = arith.constant 0 : i32
    %dma_wait3A_160 = arith.constant 0 : i32
    %dma_wait3A_161 = arith.constant 0 : i32
    %dma_wait3A_162 = arith.constant 0 : i32
    %dma_wait3A_163 = tpu.memref_slice %arg7[%dma_wait3A_158, %dma_wait3A_161, %dma_wait3A_162] : memref<3x32x1024xf32, #tpu.memory_space<vmem>> -> memref<1x8x1024xf32, #tpu.memory_space<vmem>>
    %dma_wait3A_164 = tpu.memref_squeeze %dma_wait3A_163 : memref<1x8x1024xf32, #tpu.memory_space<vmem>> -> memref<8x1024xf32, #tpu.memory_space<vmem>>
    %dma_wait3A_165 = arith.constant 0 : i32
    %dma_wait3A_166 = tpu.memref_slice %arg5[%dma_wait3A_159, %add3A_157, %dma_wait3A_165] : memref<4x2048x1024xf32, #tpu.memory_space<hbm>> -> memref<1x8x1024xf32, #tpu.memory_space<hbm>>
    %dma_wait3A_167 = tpu.memref_squeeze %dma_wait3A_166 : memref<1x8x1024xf32, #tpu.memory_space<hbm>> -> memref<8x1024xf32, #tpu.memory_space<hbm>>
    %dma_wait3A_168 = tpu.memref_slice %arg11[%dma_wait3A_160] : memref<3x!tpu.dma_semaphore, #tpu.memory_space<semaphore_mem>> -> memref<1x!tpu.dma_semaphore, #tpu.memory_space<semaphore_mem>>
    %dma_wait3A_169 = tpu.memref_squeeze %dma_wait3A_168 : memref<1x!tpu.dma_semaphore, #tpu.memory_space<semaphore_mem>> -> memref<!tpu.dma_semaphore, #tpu.memory_space<semaphore_mem>>
    %dma_wait3A_170 = arith.constant 0 : i32
    %dma_wait3A_171 = tpu.memref_slice %arg5[%dma_wait3A_159, %add3A_157, %dma_wait3A_170] : memref<4x2048x1024xf32, #tpu.memory_space<hbm>> -> memref<1x8x1024xf32, #tpu.memory_space<hbm>>
    %dma_wait3A_172 = tpu.memref_squeeze %dma_wait3A_171 : memref<1x8x1024xf32, #tpu.memory_space<hbm>> -> memref<8x1024xf32, #tpu.memory_space<hbm>>
    %dma_wait3A_173 = arith.constant 0 : i32
    %dma_wait3A_174 = arith.constant 0 : i32
    %dma_wait3A_175 = tpu.memref_slice %arg7[%dma_wait3A_158, %dma_wait3A_173, %dma_wait3A_174] : memref<3x32x1024xf32, #tpu.memory_space<vmem>> -> memref<1x8x1024xf32, #tpu.memory_space<vmem>>
    %dma_wait3A_176 = tpu.memref_squeeze %dma_wait3A_175 : memref<1x8x1024xf32, #tpu.memory_space<vmem>> -> memref<8x1024xf32, #tpu.memory_space<vmem>>
    tpu.wait_dma2 semaphore(%dma_wait3A_169 : memref<!tpu.dma_semaphore, #tpu.memory_space<semaphore_mem>>) src(%dma_wait3A_176 : memref<8x1024xf32, #tpu.memory_space<vmem>>) dst(%dma_wait3A_172 : memref<8x1024xf32, #tpu.memory_space<hbm>>)
    %add3A_177 = arith.constant 48 : i32
    %add3A_178 = arith.addi %mul3A_2, %add3A_177 : i32
    %dma_wait3A_179 = arith.constant 0 : i32
    %dma_wait3A_180 = arith.constant 1 : i32
    %dma_wait3A_181 = arith.constant 0 : i32
    %dma_wait3A_182 = arith.constant 8 : i32
    %dma_wait3A_183 = arith.constant 0 : i32
    %dma_wait3A_184 = tpu.memref_slice %arg7[%dma_wait3A_179, %dma_wait3A_182, %dma_wait3A_183] : memref<3x32x1024xf32, #tpu.memory_space<vmem>> -> memref<1x8x1024xf32, #tpu.memory_space<vmem>>
    %dma_wait3A_185 = tpu.memref_squeeze %dma_wait3A_184 : memref<1x8x1024xf32, #tpu.memory_space<vmem>> -> memref<8x1024xf32, #tpu.memory_space<vmem>>
    %dma_wait3A_186 = arith.constant 0 : i32
    %dma_wait3A_187 = tpu.memref_slice %arg5[%dma_wait3A_180, %add3A_178, %dma_wait3A_186] : memref<4x2048x1024xf32, #tpu.memory_space<hbm>> -> memref<1x8x1024xf32, #tpu.memory_space<hbm>>
    %dma_wait3A_188 = tpu.memref_squeeze %dma_wait3A_187 : memref<1x8x1024xf32, #tpu.memory_space<hbm>> -> memref<8x1024xf32, #tpu.memory_space<hbm>>
    %dma_wait3A_189 = tpu.memref_slice %arg11[%dma_wait3A_181] : memref<3x!tpu.dma_semaphore, #tpu.memory_space<semaphore_mem>> -> memref<1x!tpu.dma_semaphore, #tpu.memory_space<semaphore_mem>>
    %dma_wait3A_190 = tpu.memref_squeeze %dma_wait3A_189 : memref<1x!tpu.dma_semaphore, #tpu.memory_space<semaphore_mem>> -> memref<!tpu.dma_semaphore, #tpu.memory_space<semaphore_mem>>
    %dma_wait3A_191 = arith.constant 0 : i32
    %dma_wait3A_192 = tpu.memref_slice %arg5[%dma_wait3A_180, %add3A_178, %dma_wait3A_191] : memref<4x2048x1024xf32, #tpu.memory_space<hbm>> -> memref<1x8x1024xf32, #tpu.memory_space<hbm>>
    %dma_wait3A_193 = tpu.memref_squeeze %dma_wait3A_192 : memref<1x8x1024xf32, #tpu.memory_space<hbm>> -> memref<8x1024xf32, #tpu.memory_space<hbm>>
    %dma_wait3A_194 = arith.constant 8 : i32
    %dma_wait3A_195 = arith.constant 0 : i32
    %dma_wait3A_196 = tpu.memref_slice %arg7[%dma_wait3A_179, %dma_wait3A_194, %dma_wait3A_195] : memref<3x32x1024xf32, #tpu.memory_space<vmem>> -> memref<1x8x1024xf32, #tpu.memory_space<vmem>>
    %dma_wait3A_197 = tpu.memref_squeeze %dma_wait3A_196 : memref<1x8x1024xf32, #tpu.memory_space<vmem>> -> memref<8x1024xf32, #tpu.memory_space<vmem>>
    tpu.wait_dma2 semaphore(%dma_wait3A_190 : memref<!tpu.dma_semaphore, #tpu.memory_space<semaphore_mem>>) src(%dma_wait3A_197 : memref<8x1024xf32, #tpu.memory_space<vmem>>) dst(%dma_wait3A_193 : memref<8x1024xf32, #tpu.memory_space<hbm>>)
    %add3A_198 = arith.constant 48 : i32
    %add3A_199 = arith.addi %mul3A_2, %add3A_198 : i32
    %dma_wait3A_200 = arith.constant 0 : i32
    %dma_wait3A_201 = arith.constant 2 : i32
    %dma_wait3A_202 = arith.constant 0 : i32
    %dma_wait3A_203 = arith.constant 16 : i32
    %dma_wait3A_204 = arith.constant 0 : i32
    %dma_wait3A_205 = tpu.memref_slice %arg7[%dma_wait3A_200, %dma_wait3A_203, %dma_wait3A_204] : memref<3x32x1024xf32, #tpu.memory_space<vmem>> -> memref<1x8x1024xf32, #tpu.memory_space<vmem>>
    %dma_wait3A_206 = tpu.memref_squeeze %dma_wait3A_205 : memref<1x8x1024xf32, #tpu.memory_space<vmem>> -> memref<8x1024xf32, #tpu.memory_space<vmem>>
    %dma_wait3A_207 = arith.constant 0 : i32
    %dma_wait3A_208 = tpu.memref_slice %arg5[%dma_wait3A_201, %add3A_199, %dma_wait3A_207] : memref<4x2048x1024xf32, #tpu.memory_space<hbm>> -> memref<1x8x1024xf32, #tpu.memory_space<hbm>>
    %dma_wait3A_209 = tpu.memref_squeeze %dma_wait3A_208 : memref<1x8x1024xf32, #tpu.memory_space<hbm>> -> memref<8x1024xf32, #tpu.memory_space<hbm>>
    %dma_wait3A_210 = tpu.memref_slice %arg11[%dma_wait3A_202] : memref<3x!tpu.dma_semaphore, #tpu.memory_space<semaphore_mem>> -> memref<1x!tpu.dma_semaphore, #tpu.memory_space<semaphore_mem>>
    %dma_wait3A_211 = tpu.memref_squeeze %dma_wait3A_210 : memref<1x!tpu.dma_semaphore, #tpu.memory_space<semaphore_mem>> -> memref<!tpu.dma_semaphore, #tpu.memory_space<semaphore_mem>>
    %dma_wait3A_212 = arith.constant 0 : i32
    %dma_wait3A_213 = tpu.memref_slice %arg5[%dma_wait3A_201, %add3A_199, %dma_wait3A_212] : memref<4x2048x1024xf32, #tpu.memory_space<hbm>> -> memref<1x8x1024xf32, #tpu.memory_space<hbm>>
    %dma_wait3A_214 = tpu.memref_squeeze %dma_wait3A_213 : memref<1x8x1024xf32, #tpu.memory_space<hbm>> -> memref<8x1024xf32, #tpu.memory_space<hbm>>
    %dma_wait3A_215 = arith.constant 16 : i32
    %dma_wait3A_216 = arith.constant 0 : i32
    %dma_wait3A_217 = tpu.memref_slice %arg7[%dma_wait3A_200, %dma_wait3A_215, %dma_wait3A_216] : memref<3x32x1024xf32, #tpu.memory_space<vmem>> -> memref<1x8x1024xf32, #tpu.memory_space<vmem>>
    %dma_wait3A_218 = tpu.memref_squeeze %dma_wait3A_217 : memref<1x8x1024xf32, #tpu.memory_space<vmem>> -> memref<8x1024xf32, #tpu.memory_space<vmem>>
    tpu.wait_dma2 semaphore(%dma_wait3A_211 : memref<!tpu.dma_semaphore, #tpu.memory_space<semaphore_mem>>) src(%dma_wait3A_218 : memref<8x1024xf32, #tpu.memory_space<vmem>>) dst(%dma_wait3A_214 : memref<8x1024xf32, #tpu.memory_space<hbm>>)
    %add3A_219 = arith.constant 48 : i32
    %add3A_220 = arith.addi %mul3A_2, %add3A_219 : i32
    %dma_wait3A_221 = arith.constant 0 : i32
    %dma_wait3A_222 = arith.constant 3 : i32
    %dma_wait3A_223 = arith.constant 0 : i32
    %dma_wait3A_224 = arith.constant 24 : i32
    %dma_wait3A_225 = arith.constant 0 : i32
    %dma_wait3A_226 = tpu.memref_slice %arg7[%dma_wait3A_221, %dma_wait3A_224, %dma_wait3A_225] : memref<3x32x1024xf32, #tpu.memory_space<vmem>> -> memref<1x8x1024xf32, #tpu.memory_space<vmem>>
    %dma_wait3A_227 = tpu.memref_squeeze %dma_wait3A_226 : memref<1x8x1024xf32, #tpu.memory_space<vmem>> -> memref<8x1024xf32, #tpu.memory_space<vmem>>
    %dma_wait3A_228 = arith.constant 0 : i32
    %dma_wait3A_229 = tpu.memref_slice %arg5[%dma_wait3A_222, %add3A_220, %dma_wait3A_228] : memref<4x2048x1024xf32, #tpu.memory_space<hbm>> -> memref<1x8x1024xf32, #tpu.memory_space<hbm>>
    %dma_wait3A_230 = tpu.memref_squeeze %dma_wait3A_229 : memref<1x8x1024xf32, #tpu.memory_space<hbm>> -> memref<8x1024xf32, #tpu.memory_space<hbm>>
    %dma_wait3A_231 = tpu.memref_slice %arg11[%dma_wait3A_223] : memref<3x!tpu.dma_semaphore, #tpu.memory_space<semaphore_mem>> -> memref<1x!tpu.dma_semaphore, #tpu.memory_space<semaphore_mem>>
    %dma_wait3A_232 = tpu.memref_squeeze %dma_wait3A_231 : memref<1x!tpu.dma_semaphore, #tpu.memory_space<semaphore_mem>> -> memref<!tpu.dma_semaphore, #tpu.memory_space<semaphore_mem>>
    %dma_wait3A_233 = arith.constant 0 : i32
    %dma_wait3A_234 = tpu.memref_slice %arg5[%dma_wait3A_222, %add3A_220, %dma_wait3A_233] : memref<4x2048x1024xf32, #tpu.memory_space<hbm>> -> memref<1x8x1024xf32, #tpu.memory_space<hbm>>
    %dma_wait3A_235 = tpu.memref_squeeze %dma_wait3A_234 : memref<1x8x1024xf32, #tpu.memory_space<hbm>> -> memref<8x1024xf32, #tpu.memory_space<hbm>>
    %dma_wait3A_236 = arith.constant 24 : i32
    %dma_wait3A_237 = arith.constant 0 : i32
    %dma_wait3A_238 = tpu.memref_slice %arg7[%dma_wait3A_221, %dma_wait3A_236, %dma_wait3A_237] : memref<3x32x1024xf32, #tpu.memory_space<vmem>> -> memref<1x8x1024xf32, #tpu.memory_space<vmem>>
    %dma_wait3A_239 = tpu.memref_squeeze %dma_wait3A_238 : memref<1x8x1024xf32, #tpu.memory_space<vmem>> -> memref<8x1024xf32, #tpu.memory_space<vmem>>
    tpu.wait_dma2 semaphore(%dma_wait3A_232 : memref<!tpu.dma_semaphore, #tpu.memory_space<semaphore_mem>>) src(%dma_wait3A_239 : memref<8x1024xf32, #tpu.memory_space<vmem>>) dst(%dma_wait3A_235 : memref<8x1024xf32, #tpu.memory_space<hbm>>)
    %add3A_240 = arith.constant 56 : i32
    %add3A_241 = arith.addi %mul3A_2, %add3A_240 : i32
    %dma_wait3A_242 = arith.constant 1 : i32
    %dma_wait3A_243 = arith.constant 0 : i32
    %dma_wait3A_244 = arith.constant 1 : i32
    %dma_wait3A_245 = arith.constant 0 : i32
    %dma_wait3A_246 = arith.constant 0 : i32
    %dma_wait3A_247 = tpu.memref_slice %arg7[%dma_wait3A_242, %dma_wait3A_245, %dma_wait3A_246] : memref<3x32x1024xf32, #tpu.memory_space<vmem>> -> memref<1x8x1024xf32, #tpu.memory_space<vmem>>
    %dma_wait3A_248 = tpu.memref_squeeze %dma_wait3A_247 : memref<1x8x1024xf32, #tpu.memory_space<vmem>> -> memref<8x1024xf32, #tpu.memory_space<vmem>>
    %dma_wait3A_249 = arith.constant 0 : i32
    %dma_wait3A_250 = tpu.memref_slice %arg5[%dma_wait3A_243, %add3A_241, %dma_wait3A_249] : memref<4x2048x1024xf32, #tpu.memory_space<hbm>> -> memref<1x8x1024xf32, #tpu.memory_space<hbm>>
    %dma_wait3A_251 = tpu.memref_squeeze %dma_wait3A_250 : memref<1x8x1024xf32, #tpu.memory_space<hbm>> -> memref<8x1024xf32, #tpu.memory_space<hbm>>
    %dma_wait3A_252 = tpu.memref_slice %arg11[%dma_wait3A_244] : memref<3x!tpu.dma_semaphore, #tpu.memory_space<semaphore_mem>> -> memref<1x!tpu.dma_semaphore, #tpu.memory_space<semaphore_mem>>
    %dma_wait3A_253 = tpu.memref_squeeze %dma_wait3A_252 : memref<1x!tpu.dma_semaphore, #tpu.memory_space<semaphore_mem>> -> memref<!tpu.dma_semaphore, #tpu.memory_space<semaphore_mem>>
    %dma_wait3A_254 = arith.constant 0 : i32
    %dma_wait3A_255 = tpu.memref_slice %arg5[%dma_wait3A_243, %add3A_241, %dma_wait3A_254] : memref<4x2048x1024xf32, #tpu.memory_space<hbm>> -> memref<1x8x1024xf32, #tpu.memory_space<hbm>>
    %dma_wait3A_256 = tpu.memref_squeeze %dma_wait3A_255 : memref<1x8x1024xf32, #tpu.memory_space<hbm>> -> memref<8x1024xf32, #tpu.memory_space<hbm>>
    %dma_wait3A_257 = arith.constant 0 : i32
    %dma_wait3A_258 = arith.constant 0 : i32
    %dma_wait3A_259 = tpu.memref_slice %arg7[%dma_wait3A_242, %dma_wait3A_257, %dma_wait3A_258] : memref<3x32x1024xf32, #tpu.memory_space<vmem>> -> memref<1x8x1024xf32, #tpu.memory_space<vmem>>
    %dma_wait3A_260 = tpu.memref_squeeze %dma_wait3A_259 : memref<1x8x1024xf32, #tpu.memory_space<vmem>> -> memref<8x1024xf32, #tpu.memory_space<vmem>>
    tpu.wait_dma2 semaphore(%dma_wait3A_253 : memref<!tpu.dma_semaphore, #tpu.memory_space<semaphore_mem>>) src(%dma_wait3A_260 : memref<8x1024xf32, #tpu.memory_space<vmem>>) dst(%dma_wait3A_256 : memref<8x1024xf32, #tpu.memory_space<hbm>>)
    %add3A_261 = arith.constant 56 : i32
    %add3A_262 = arith.addi %mul3A_2, %add3A_261 : i32
    %dma_wait3A_263 = arith.constant 1 : i32
    %dma_wait3A_264 = arith.constant 1 : i32
    %dma_wait3A_265 = arith.constant 1 : i32
    %dma_wait3A_266 = arith.constant 8 : i32
    %dma_wait3A_267 = arith.constant 0 : i32
    %dma_wait3A_268 = tpu.memref_slice %arg7[%dma_wait3A_263, %dma_wait3A_266, %dma_wait3A_267] : memref<3x32x1024xf32, #tpu.memory_space<vmem>> -> memref<1x8x1024xf32, #tpu.memory_space<vmem>>
    %dma_wait3A_269 = tpu.memref_squeeze %dma_wait3A_268 : memref<1x8x1024xf32, #tpu.memory_space<vmem>> -> memref<8x1024xf32, #tpu.memory_space<vmem>>
    %dma_wait3A_270 = arith.constant 0 : i32
    %dma_wait3A_271 = tpu.memref_slice %arg5[%dma_wait3A_264, %add3A_262, %dma_wait3A_270] : memref<4x2048x1024xf32, #tpu.memory_space<hbm>> -> memref<1x8x1024xf32, #tpu.memory_space<hbm>>
    %dma_wait3A_272 = tpu.memref_squeeze %dma_wait3A_271 : memref<1x8x1024xf32, #tpu.memory_space<hbm>> -> memref<8x1024xf32, #tpu.memory_space<hbm>>
    %dma_wait3A_273 = tpu.memref_slice %arg11[%dma_wait3A_265] : memref<3x!tpu.dma_semaphore, #tpu.memory_space<semaphore_mem>> -> memref<1x!tpu.dma_semaphore, #tpu.memory_space<semaphore_mem>>
    %dma_wait3A_274 = tpu.memref_squeeze %dma_wait3A_273 : memref<1x!tpu.dma_semaphore, #tpu.memory_space<semaphore_mem>> -> memref<!tpu.dma_semaphore, #tpu.memory_space<semaphore_mem>>
    %dma_wait3A_275 = arith.constant 0 : i32
    %dma_wait3A_276 = tpu.memref_slice %arg5[%dma_wait3A_264, %add3A_262, %dma_wait3A_275] : memref<4x2048x1024xf32, #tpu.memory_space<hbm>> -> memref<1x8x1024xf32, #tpu.memory_space<hbm>>
    %dma_wait3A_277 = tpu.memref_squeeze %dma_wait3A_276 : memref<1x8x1024xf32, #tpu.memory_space<hbm>> -> memref<8x1024xf32, #tpu.memory_space<hbm>>
    %dma_wait3A_278 = arith.constant 8 : i32
    %dma_wait3A_279 = arith.constant 0 : i32
    %dma_wait3A_280 = tpu.memref_slice %arg7[%dma_wait3A_263, %dma_wait3A_278, %dma_wait3A_279] : memref<3x32x1024xf32, #tpu.memory_space<vmem>> -> memref<1x8x1024xf32, #tpu.memory_space<vmem>>
    %dma_wait3A_281 = tpu.memref_squeeze %dma_wait3A_280 : memref<1x8x1024xf32, #tpu.memory_space<vmem>> -> memref<8x1024xf32, #tpu.memory_space<vmem>>
    tpu.wait_dma2 semaphore(%dma_wait3A_274 : memref<!tpu.dma_semaphore, #tpu.memory_space<semaphore_mem>>) src(%dma_wait3A_281 : memref<8x1024xf32, #tpu.memory_space<vmem>>) dst(%dma_wait3A_277 : memref<8x1024xf32, #tpu.memory_space<hbm>>)
    %add3A_282 = arith.constant 56 : i32
    %add3A_283 = arith.addi %mul3A_2, %add3A_282 : i32
    %dma_wait3A_284 = arith.constant 1 : i32
    %dma_wait3A_285 = arith.constant 2 : i32
    %dma_wait3A_286 = arith.constant 1 : i32
    %dma_wait3A_287 = arith.constant 16 : i32
    %dma_wait3A_288 = arith.constant 0 : i32
    %dma_wait3A_289 = tpu.memref_slice %arg7[%dma_wait3A_284, %dma_wait3A_287, %dma_wait3A_288] : memref<3x32x1024xf32, #tpu.memory_space<vmem>> -> memref<1x8x1024xf32, #tpu.memory_space<vmem>>
    %dma_wait3A_290 = tpu.memref_squeeze %dma_wait3A_289 : memref<1x8x1024xf32, #tpu.memory_space<vmem>> -> memref<8x1024xf32, #tpu.memory_space<vmem>>
    %dma_wait3A_291 = arith.constant 0 : i32
    %dma_wait3A_292 = tpu.memref_slice %arg5[%dma_wait3A_285, %add3A_283, %dma_wait3A_291] : memref<4x2048x1024xf32, #tpu.memory_space<hbm>> -> memref<1x8x1024xf32, #tpu.memory_space<hbm>>
    %dma_wait3A_293 = tpu.memref_squeeze %dma_wait3A_292 : memref<1x8x1024xf32, #tpu.memory_space<hbm>> -> memref<8x1024xf32, #tpu.memory_space<hbm>>
    %dma_wait3A_294 = tpu.memref_slice %arg11[%dma_wait3A_286] : memref<3x!tpu.dma_semaphore, #tpu.memory_space<semaphore_mem>> -> memref<1x!tpu.dma_semaphore, #tpu.memory_space<semaphore_mem>>
    %dma_wait3A_295 = tpu.memref_squeeze %dma_wait3A_294 : memref<1x!tpu.dma_semaphore, #tpu.memory_space<semaphore_mem>> -> memref<!tpu.dma_semaphore, #tpu.memory_space<semaphore_mem>>
    %dma_wait3A_296 = arith.constant 0 : i32
    %dma_wait3A_297 = tpu.memref_slice %arg5[%dma_wait3A_285, %add3A_283, %dma_wait3A_296] : memref<4x2048x1024xf32, #tpu.memory_space<hbm>> -> memref<1x8x1024xf32, #tpu.memory_space<hbm>>
    %dma_wait3A_298 = tpu.memref_squeeze %dma_wait3A_297 : memref<1x8x1024xf32, #tpu.memory_space<hbm>> -> memref<8x1024xf32, #tpu.memory_space<hbm>>
    %dma_wait3A_299 = arith.constant 16 : i32
    %dma_wait3A_300 = arith.constant 0 : i32
    %dma_wait3A_301 = tpu.memref_slice %arg7[%dma_wait3A_284, %dma_wait3A_299, %dma_wait3A_300] : memref<3x32x1024xf32, #tpu.memory_space<vmem>> -> memref<1x8x1024xf32, #tpu.memory_space<vmem>>
    %dma_wait3A_302 = tpu.memref_squeeze %dma_wait3A_301 : memref<1x8x1024xf32, #tpu.memory_space<vmem>> -> memref<8x1024xf32, #tpu.memory_space<vmem>>
    tpu.wait_dma2 semaphore(%dma_wait3A_295 : memref<!tpu.dma_semaphore, #tpu.memory_space<semaphore_mem>>) src(%dma_wait3A_302 : memref<8x1024xf32, #tpu.memory_space<vmem>>) dst(%dma_wait3A_298 : memref<8x1024xf32, #tpu.memory_space<hbm>>)
    %add3A_303 = arith.constant 56 : i32
    %add3A_304 = arith.addi %mul3A_2, %add3A_303 : i32
    %dma_wait3A_305 = arith.constant 1 : i32
    %dma_wait3A_306 = arith.constant 3 : i32
    %dma_wait3A_307 = arith.constant 1 : i32
    %dma_wait3A_308 = arith.constant 24 : i32
    %dma_wait3A_309 = arith.constant 0 : i32
    %dma_wait3A_310 = tpu.memref_slice %arg7[%dma_wait3A_305, %dma_wait3A_308, %dma_wait3A_309] : memref<3x32x1024xf32, #tpu.memory_space<vmem>> -> memref<1x8x1024xf32, #tpu.memory_space<vmem>>
    %dma_wait3A_311 = tpu.memref_squeeze %dma_wait3A_310 : memref<1x8x1024xf32, #tpu.memory_space<vmem>> -> memref<8x1024xf32, #tpu.memory_space<vmem>>
    %dma_wait3A_312 = arith.constant 0 : i32
    %dma_wait3A_313 = tpu.memref_slice %arg5[%dma_wait3A_306, %add3A_304, %dma_wait3A_312] : memref<4x2048x1024xf32, #tpu.memory_space<hbm>> -> memref<1x8x1024xf32, #tpu.memory_space<hbm>>
    %dma_wait3A_314 = tpu.memref_squeeze %dma_wait3A_313 : memref<1x8x1024xf32, #tpu.memory_space<hbm>> -> memref<8x1024xf32, #tpu.memory_space<hbm>>
    %dma_wait3A_315 = tpu.memref_slice %arg11[%dma_wait3A_307] : memref<3x!tpu.dma_semaphore, #tpu.memory_space<semaphore_mem>> -> memref<1x!tpu.dma_semaphore, #tpu.memory_space<semaphore_mem>>
    %dma_wait3A_316 = tpu.memref_squeeze %dma_wait3A_315 : memref<1x!tpu.dma_semaphore, #tpu.memory_space<semaphore_mem>> -> memref<!tpu.dma_semaphore, #tpu.memory_space<semaphore_mem>>
    %dma_wait3A_317 = arith.constant 0 : i32
    %dma_wait3A_318 = tpu.memref_slice %arg5[%dma_wait3A_306, %add3A_304, %dma_wait3A_317] : memref<4x2048x1024xf32, #tpu.memory_space<hbm>> -> memref<1x8x1024xf32, #tpu.memory_space<hbm>>
    %dma_wait3A_319 = tpu.memref_squeeze %dma_wait3A_318 : memref<1x8x1024xf32, #tpu.memory_space<hbm>> -> memref<8x1024xf32, #tpu.memory_space<hbm>>
    %dma_wait3A_320 = arith.constant 24 : i32
    %dma_wait3A_321 = arith.constant 0 : i32
    %dma_wait3A_322 = tpu.memref_slice %arg7[%dma_wait3A_305, %dma_wait3A_320, %dma_wait3A_321] : memref<3x32x1024xf32, #tpu.memory_space<vmem>> -> memref<1x8x1024xf32, #tpu.memory_space<vmem>>
    %dma_wait3A_323 = tpu.memref_squeeze %dma_wait3A_322 : memref<1x8x1024xf32, #tpu.memory_space<vmem>> -> memref<8x1024xf32, #tpu.memory_space<vmem>>
    tpu.wait_dma2 semaphore(%dma_wait3A_316 : memref<!tpu.dma_semaphore, #tpu.memory_space<semaphore_mem>>) src(%dma_wait3A_323 : memref<8x1024xf32, #tpu.memory_space<vmem>>) dst(%dma_wait3A_319 : memref<8x1024xf32, #tpu.memory_space<hbm>>)
    return
  }
}

</mosaic_0001>

<sc_bundles>
// kernel: kernel.3.cloned.1.call-start
scs
__scs_entry_jumppad:
0x0: {  	(pc) =	sbr.rel $0x88, $3  }
0x1: {  	(tag) =	ssettag $0x0;
	lr =	simm.s32 $0x1  }
0x2: {  	[smem:$0x3F9E] =	sst lr;
	_ =	strace $0xD0000000  }
0x3: {  	_ = 	snop  }
0x4: {  	_ = 	snop  }
0x5: {  	_ = 	snop  }
0x6: {  	_ = 	snop  }
0x7: {  	_ = 	snop  }
__scs_overlays_trampoline_lowered:
0x8: {  	[smem:$0x3FAD] =	sst s0  }
0x9: {  	[smem:$0x3FAE] =	sst s1  }
0xa: {  	[smem:$0x3FAF] =	sst s2  }
0xb: {  	[smem:$0x3FB0] =	sst s3  }
0xc: {  	[smem:$0x3FB1] =	sst s4  }
0xd: {  	[smem:$0x3FB2] =	sst s5  }
0xe: {  	[smem:$0x3FB3] =	sst s6  }
0xf: {  	[smem:$0x3FB4] =	sst s7  }
0x10: {  	[smem:$0x3FB5] =	sst s8  }
0x11: {  	[smem:$0x3FB6] =	sst s9;
	s0 =	simm.s32 @!p0 $0x0  }
0x12: {  	s1 =	sld [smem:$0x3F9C];
	s0 =	simm.s32 @p0 $0x1  }
0x13: {  	[smem:$0x3FB7] =	sst s0;
	s0 =	simm.s32 @!p1 $0x0  }
0x14: {  	s2 =	sld [smem:$0x3F9B];
	s0 =	simm.s32 @p1 $0x1  }
0x15: {  	[smem:$0x3FB8] =	sst s0;
	s0 =	simm.s32 @!p2 $0x0  }
0x16: {  	s3 =	sld [smem:$0x3FDB];
	s0 =	simm.s32 @p2 $0x1  }
0x17: {  	s4 =	simm.s32 $0x1BF5;
	[smem:$0x3FBA] =	sst s0  }
0x18: {  	s0 =	sld [smem:$0x3F9D];
	_ =	swait.ge [sflag:s4], $0x0  }
0x19: {  	s7 =	sld [smem:$0x3F9E]  }
0x1a: {  	s8 =	sadd.s32 $0xFFFFE003, lr  }
0x1b: {  	s9 =	sadd.s32 $0xFFFFFEF7, lr;
	s5 =	simm.s32 $0xFFFFFFFF;
	p2 =	slt.u32 s8, $0xFFFFF086  }
0x1c: {  	p1 =	slt.u32 s9, $0xF7A;
	s5 =	simm.s32 @!p2 $0x0  }
0x1d: {  	s5 =	simm.s32 @p1 $0x1;
	p0 =	seq.s32 s7, s2  }
0x1e: {  	s7 =	smul.u32 @!p0 $0xF7A, s2;
	p2 =	seq.s32 @!p0 s5, $0x0  }
0x1f: {  	s9 =	smul.u32 $0xF7A, s1;
	s8 =	simm.s32 @!p0 $0x1BF5;
	p2 =	por !p2, p0  }
0x20: {  	[sflag:s8] =	ssyncset.s32 @!p0 $0xFFFFF086;
	s6 =	sadd.s32 @!p0 s3, s7;
	s7 =	simm.s32 @!p0 $0x108  }
0x21: {  	s3 =	sadd.s32 s3, s9;
	s6 =	sadd.s32 @!p0 $0x88, s6;
	s7 =	simm.s32 @p2 $0x1082  }
0x22: {  	[simem:s7], [sflag:s8] =	dma.local @!p0 [hbm:s6], $0xF7A  }
0x23: {  	s9 =	sor.u32 $0xD0000000, s2;
	s6 =	simm.s32 $0x108;
	_ =	swait.ge @!p0 [sflag:s8], $0x0  }
0x24: {  	s3 =	sadd.s32 $0x88, s3;
	s6 =	simm.s32 @!p1 $0x1082;
	[sflag:s4] =	ssyncset.s32 $0xFFFFF086  }
0x25: {  	[simem:s6], [sflag:s4] =	dma.local [hbm:s3], $0xF7A  }
0x26: {  	[smem:$0x3F9E] =	sst s1;
	(tag) =	ssettag s2;
	_ =	strace s9  }
0x27: {  	s1 =	sld [smem:$0x3FAE]  }
0x28: {  	s2 =	sld [smem:$0x3FAF]  }
0x29: {  	s4 =	sld [smem:$0x3FB1]  }
0x2a: {  	p0 =	seq.s32 s5, $0x0;
	s5 =	sld [smem:$0x3FB2]  }
0x2b: {  	s6 =	sld [smem:$0x3FB3]  }
0x2c: {  	s7 =	sld [smem:$0x3FB4]  }
0x2d: {  	s3 =	simm.s32 $0x108;
	s8 =	sld [smem:$0x3FB5]  }
0x2e: {  	s3 =	simm.s32 @!p0 $0x1082;
	s9 =	sld [smem:$0x3FB6]  }
0x2f: {  	lr =	sadd.s32 s0, s3;
	s0 =	sld [smem:$0x3FAD]  }
0x30: {  	s3 =	sld [smem:$0x3FB0]  }
0x31: {  	[smem:$0x3FB9] =	sst s10  }
0x32: {  	s10 =	sld [smem:$0x3FB7];
	_ =	sdelay $0x3  }
0x33: {  	p0 =	seq.s32 s10, $0x1;
	s10 =	sld [smem:$0x3FB9];
	_ =	sdelay $0x3  }
0x34: {  	[smem:$0x3FB9] =	sst s10  }
0x35: {  	s10 =	sld [smem:$0x3FB8];
	_ =	sdelay $0x3  }
0x36: {  	p1 =	seq.s32 s10, $0x1;
	s10 =	sld [smem:$0x3FB9];
	_ =	sdelay $0x3  }
0x37: {  	[smem:$0x3FB9] =	sst s10  }
0x38: {  	s10 =	sld [smem:$0x3FBA]  }
0x39: {  	_ = 	snop;
	(pc) =	sbr.ind lr, $3  }
0x3a: {  	_ = 	snop  }
0x3b: {  	_ = 	snop  }
0x3c: {  	p2 =	seq.s32 s10, $0x1;
	s10 =	sld [smem:$0x3FB9]  }
0x3d: {  	_ =	shalt  }
0x3e: {  	_ =	shalt  }
0x3f: {  	_ =	shalt  }
0x40: {  	_ =	shalt  }
0x41: {  	_ =	shalt  }
0x42: {  	_ =	shalt  }
0x43: {  	_ =	shalt  }
0x44: {  	_ =	shalt  }
0x45: {  	_ =	shalt  }
0x46: {  	_ =	shalt  }
0x47: {  	_ =	shalt  }
0x48: {  	_ =	shalt  }
0x49: {  	_ =	shalt  }
0x4a: {  	_ =	shalt  }
0x4b: {  	_ =	shalt  }
0x4c: {  	_ =	shalt  }
0x4d: {  	_ =	shalt  }
0x4e: {  	_ =	shalt  }
0x4f: {  	_ =	shalt  }
0x50: {  	_ =	shalt  }
0x51: {  	_ =	shalt  }
0x52: {  	_ =	shalt  }
0x53: {  	_ =	shalt  }
0x54: {  	_ =	shalt  }
0x55: {  	_ =	shalt  }
0x56: {  	_ =	shalt  }
0x57: {  	_ =	shalt  }
0x58: {  	_ =	shalt  }
0x59: {  	_ =	shalt  }
0x5a: {  	_ =	shalt  }
0x5b: {  	_ =	shalt  }
0x5c: {  	_ =	shalt  }
0x5d: {  	_ =	shalt  }
0x5e: {  	_ =	shalt  }
0x5f: {  	_ =	shalt  }
0x60: {  	_ =	shalt  }
0x61: {  	_ =	shalt  }
0x62: {  	_ =	shalt  }
0x63: {  	_ =	shalt  }
0x64: {  	_ =	shalt  }
0x65: {  	_ =	shalt  }
0x66: {  	_ =	shalt  }
0x67: {  	_ =	shalt  }
0x68: {  	_ =	shalt  }
0x69: {  	_ =	shalt  }
0x6a: {  	_ =	shalt  }
0x6b: {  	_ =	shalt  }
0x6c: {  	_ =	shalt  }
0x6d: {  	_ =	shalt  }
0x6e: {  	_ =	shalt  }
0x6f: {  	_ =	shalt  }
0x70: {  	_ =	shalt  }
0x71: {  	_ =	shalt  }
0x72: {  	_ =	shalt  }
0x73: {  	_ =	shalt  }
0x74: {  	_ =	shalt  }
0x75: {  	_ =	shalt  }
0x76: {  	_ =	shalt  }
0x77: {  	_ =	shalt  }
0x78: {  	_ =	shalt  }
0x79: {  	_ =	shalt  }
0x7a: {  	_ =	shalt  }
0x7b: {  	_ =	shalt  }
0x7c: {  	_ =	shalt  }
0x7d: {  	_ =	shalt  }
0x7e: {  	_ =	shalt  }
0x7f: {  	_ =	shalt  }
0x80: {  	_ =	shalt  }
0x81: {  	_ =	shalt  }
0x82: {  	_ =	shalt  }
0x83: {  	_ =	shalt  }
0x84: {  	_ =	shalt  }
0x85: {  	_ =	shalt  }
0x86: {  	_ =	shalt  }
0x87: {  	_ =	shalt  }
.Lfunc_end0:
.L_simem_size_0:
called_computation_lowered:
.L_overlay_start_0:
0x88: {  	s2 =	sld [smem:$0x3FD9]  }
0x89: {  	s3 =	sld [smem:$0x3FFE];
	_ =	sdelay $0x1  }
0x8a: {  	s1 =	srdreg.scid  }
0x8b: {  	s0 =	sand.u32 $0x1, s1  }
0x8c: {  	s17 =	sshll.u32 s0, $0xA;
	s2 =	sadd.s32 s3, s2  }
0x8d: {  	s2 =	sadd.s32 s2, s17  }
0x8e: {  	[smem:$0x3FC5] =	sst s2  }
0x8f: {  	_ = 	snop  }
0x90: {  	s2 =	sld [smem:$0x3FC8]  }
0x91: {  	s18 =	sld [smem:$0x3FC7]  }
0x92: {  	s4 =	sld [smem:$0x3FD0];
	(tm) =	ssettm $0x1  }
0x93: {  	s5 =	sld [smem:$0x3FFB];
	_ =	sdelay $0x3  }
0x94: {  	_ =	strace s5  }
0x95: {  	s5 =	sld [smem:$0x3FFC];
	_ =	sdelay $0x3  }
0x96: {  	_ =	strace s5  }
0x97: {  	s5 =	sld [smem:$0x3FFD];
	_ =	sdelay $0x3  }
0x98: {  	_ =	strace s5  }
0x99: {  	_ =	strace $0x8FFFFFFF  }
0x9a: {  	s19 =	sld [smem:$0x3FDB];
	_ =	sdelay $0x1  }
0x9b: {  	s6 =	simm.s32 $_scs_section_size  }
0x9c: {  	s7 =	simm.s32 $_size__tile_overlayer_lowered;
	s8 =	simm.s32 $_tile_overlayer_lowered  }
0x9d: {  	s22 =	simm.s32 $0x1BFF;
	s21 =	sshll.u32 s8, $0x1;
	s5 =	sadd.s32 s6, s19  }
0x9e: {  	s9 =	simm.s32 $0x0;
	s20 =	sshll.u32 s7, $0x1;
	s7 =	sadd.s32 s21, s5  }
0x9f: {  	[timem:s9], [sflag:s22] =	dma.local [hbm:s7], s20  }
0xa0: {  	_ =	swait.ge [sflag:s22], s20  }
0xa1: {  	s6 =	ssub.s32 $0x0, s20;
	[sflag:s22] =	ssyncset.done $0x0  }
0xa2: {  	[sflag:s22] =	ssyncadd.s32 s6;
	_ =	sdelay $0x1  }
0xa3: {  	s23 =	simm.s32 $0x1B8B  }
0xa4: {  	_ =	swait.ge [sflag:s23], $0x1  }
0xa5: {  	[sflag:s23] =	ssyncset.done $0x0  }
0xa6: {  	s25 =	simm.s32 $0x1B8E;
	s24 =	sld [smem:$0x3FFE];
	[sflag:s23] =	ssyncadd.s32 $0xFFFFFFFF  }
0xa7: {  	s26 =	simm.s32 $execute0_lowered;
	[smem:$0x3FD2] =	sst s25  }
0xa8: {  	s7 =	sshll.u32 s26, $0x1;
	_ =	strace $0x80000046;
	[dreg:$0x1] =	wrdreg $0xFFFFFFFF  }
0xa9: {  	s28 =	simm.s32 $_size_execute0_lowered;
	s5 =	sadd.s32 s5, s7;
	[dreg:$0x0] =	wrdreg $0x0  }
0xaa: {  	s7 =	sshll.u32 s28, $0x1;
	[dreg:$0x2] =	wrdreg s5  }
0xab: {  	[dreg:$0x3] =	wrdreg s7  }
0xac: {  	[dreg:$0x4] =	wrdreg $0xC0  }
0xad: {  	_ =	task [dreg:s9], $0x5FFFF  }
0xae: {  	[dreg:$0x1] =	wrdreg $0xFFFFFFFF  }
0xaf: {  	[dreg:$0x0] =	wrdreg $0x60  }
0xb0: {  	[dreg:$0x2] =	wrdreg s24  }
0xb1: {  	[dreg:$0x3] =	wrdreg s2  }
0xb2: {  	[dreg:$0x4] =	wrdreg s18  }
0xb3: {  	[dreg:$0x5] =	wrdreg s4  }
0xb4: {  	[dreg:$0x6] =	wrdreg $0x9  }
0xb5: {  	_ =	task.clear_ibuf [dreg:s9], $0x7FFFF;
	_ =	strace $0x90000046  }
0xb6: {  	s29 =	simm.s32 $0x9;
	_ =	strace $0x80000048  }
0xb7: {  	_ =	swait.ge [sflag:s29], $0x1  }
0xb8: {  	[sflag:s29] =	ssyncadd.s32 $0xFFFFFFFF  }
0xb9: {  	_ =	strace $0x90000048  }
0xba: {  	_ =	sfence  }
0xbb: {  	s30 =	sld [smem:$0x0];
	_ =	sdelay $0x2  }
0xbc: {  	s31 =	sshll.u32 s1, $0xD;
	s1 =	sshrl.u32 s1, $0x2  }
0xbd: {  	s3 =	sand.u32 $0x4000, s31;
	s1 =	sadd.s32 s1, s30  }
0xbe: {  	s0 =	sor.u32 s3, s0;
	s1 =	sshll.u32 s1, $0x11  }
0xbf: {  	s0 =	sor.u32 s1, s0  }
0xc0: {  	s0 =	sadd.s32 $0x8F2B, s0  }
0xc1: {  	[sflag:s0] =	ssyncadd.remote.s32 $0x1  }
0xc2: {  	_ =	sfence.sel $0xFFFF  }
0xc3: {  	[dreg:$0x0] =	wrdreg $0xFFFFFFFF;
	(pc) =	sbr.abs _section_cstart, $3  }
0xc4: {  	[dreg:$0x1] =	wrdreg $0xFFFFFFFF  }
0xc5: {  	_ =	task.clear_ibuf [dreg:s9], $0x2FFFF;
	_ =	strace $0x9FFFFFFF  }
0xc6: {  	(tm) =	ssettm $0x7FFFFFFF  }
0xc7: {  	_ =	shalt  }
tec
execute0_lowered:
.L_overlay_start_1:
0x0: {  	(tag) =	ssettag $0x1  }
0x1: {  	s0 =	rddreg [dreg:$0x0]  }
0x2: {  	s7 =	rddreg [dreg:$0x1]  }
0x3: {  	s2 =	rddreg [dreg:$0x2]  }
0x4: {  	s3 =	srdreg.scid;
	s8 =	rddreg [dreg:$0x3];
	s4 =	simm.s32 $0x0  }
0x5: {  	s1 =	stileid.u32;
	[smem:$0x7FF] =	sst s4;
	s25 =	sadd.s32 $0x100, s7  }
0x6: {  	s26 =	sadd.s32 $0x200, s7;
	_ =	strace $0x80000047;
	[dreg:$0x8] =	wrdreg s25  }
0x7: {  	s3 =	sand.u32 $0x1, s3;
	s28 =	sadd.s32 $0x40000, s8;
	[dreg:$0x9] =	wrdreg s26  }
0x8: {  	s5 =	sshll.u32 s1, $0x1;
	s29 =	sadd.s32 $0x80000, s8;
	[dreg:$0xb] =	wrdreg s28  }
0x9: {  	s30 =	sadd.s32 $0xC0000, s8;
	s5 =	sor.u32 s3, s5;
	[dreg:$0xc] =	wrdreg s29  }
0xa: {  	s3 =	ssub.s32 $0x2, s3;
	[dreg:$0xd] =	wrdreg s30;
	s6 =	sshll.u32 s5, $0x7  }
0xb: {  	s23 =	sshrl.u32 s3, $0x1;
	s24 =	sshll.u32 s5, $0xD;
	s0 =	sadd.s32 s6, s0  }
0xc: {  	s3 =	ssub.s32 s3, s23;
	[dreg:$0x6] =	wrdreg s24;
	s0 =	sadd.s32 $0x400, s0  }
0xd: {  	s31 =	smax.u32 s3, $0x1;
	[dreg:$0x5] =	wrdreg s0  }
0xe: {  	v2 =	vlaneseq.u32;
	s0 =	sadd.s32 s2, s24;
	[dreg:$0xe] =	wrdreg s31  }
0xf: {  	vm0 =	vmmov $0xffff;
	v1 =	vshrl.u32 v2, $0x3;
	[dreg:$0x7] =	wrdreg s0;
	s0 =	sadd.s32 $0x400, s0  }
0x10: {  	s10 =	sadd.s32 $0x300, s7;
	v0 =	vand.u32 $0x7, v2;
	v2 =	vor.u32 $0x8, v2;
	v1 =	vmul.u32 $0x8, v1;
	s2 =	simm.s32 $0x0;
	[dreg:$0xa] =	wrdreg s0  }
.LBB2_1:
0x11: {  	[dreg:$0xf] =	wrdreg s2  }
0x12: {  	s0 =	rddreg [dreg:$0x5];
	s22 =	simm.s32 $0xA  }
0x13: {  	[tilespmem:s4], [sflag:$0xA] =	stream.linear.gather [hbm4b:s0+s4], $0x400, $0x38;
	[tilespmem:$0x1E400] =	vst v63  }
0x14: {  	_ =	swait.ge [sflag:s22], $0x400  }
0x15: {  	[sflag:s22] =	ssyncset.done $0x0  }
0x16: {  	s1 =	simm.s32 $0x18400;
	s23 =	rddreg [dreg:$0x7];
	[sflag:s22] =	ssyncadd.s32 $0xFFFFFC00  }
0x17: {  	[tilespmem:s1], [sflag:$0x4] =	stream.linear.gather [hbm4b:s23+s4], $0x2000, $0x38;
	[tilespmem:$0x1E400] =	vst v63  }
0x18: {  	v3 =	vld [tilespmem:$0x0];
	_ =	sdelay $0x4  }
0x19: {  	v4 =	vshll.u32 v3, $0x3  }
0x1a: {  	v3 =	vand.u32 $0x7, v3;
	v4 =	vand.u32 $0xFFFFFFC0, v4  }
0x1b: {  	v3 =	vor.u32 v3, v4  }
0x1c: {  	v4 =	vperm.xlane v3, v0;
	_ =	sdelay $0x1  }
0x1d: {  	v4 =	vadd.s32 v1, v4;
	_ =	sdelay $0x3  }
0x1e: {  	s24 =	simm.s32 $0x400;
	s0 =	rddreg [dreg:$0x1]  }
0x1f: {  	[tilespmem:s24], [sflag:$0x1] =	stream.indirect_vreg.gather [hbm4b:s0+s4], $0x80, v4, vm0, $0xb8;
	[tilespmem:$0x1E400] =	vst v63  }
0x20: {  	s25 =	simm.s32 $0xC00;
	s1 =	rddreg [dreg:$0x8];
	v3 =	vperm.xlane v3, v2  }
0x21: {  	[tilespmem:s25], [sflag:$0x1] =	stream.indirect_vreg.gather [hbm4b:s1+s4], $0x80, v4, vm0, $0xb8;
	[tilespmem:$0x1E400] =	vst v63  }
0x22: {  	s3 =	simm.s32 $0x1400;
	s2 =	rddreg [dreg:$0x9];
	v3 =	vadd.s32 v1, v3  }
0x23: {  	[tilespmem:s3], [sflag:$0x1] =	stream.indirect_vreg.gather [hbm4b:s2+s4], $0x80, v4, vm0, $0xb8;
	[tilespmem:$0x1E400] =	vst v63  }
0x24: {  	s26 =	simm.s32 $0x1C00  }
0x25: {  	[tilespmem:s26], [sflag:$0x1] =	stream.indirect_vreg.gather [hbm4b:s10+s4], $0x80, v4, vm0, $0xb8;
	[tilespmem:$0x1E400] =	vst v63  }
0x26: {  	s28 =	simm.s32 $0x2400  }
0x27: {  	[tilespmem:s28], [sflag:$0x1] =	stream.indirect_vreg.gather [hbm4b:s0+s4], $0x80, v3, vm0, $0xb8;
	[tilespmem:$0x1E400] =	vst v63  }
0x28: {  	s29 =	simm.s32 $0x2C00  }
0x29: {  	[tilespmem:s29], [sflag:$0x1] =	stream.indirect_vreg.gather [hbm4b:s1+s4], $0x80, v3, vm0, $0xb8;
	[tilespmem:$0x1E400] =	vst v63  }
0x2a: {  	s30 =	simm.s32 $0x3400  }
0x2b: {  	[tilespmem:s30], [sflag:$0x1] =	stream.indirect_vreg.gather [hbm4b:s2+s4], $0x80, v3, vm0, $0xb8;
	[tilespmem:$0x1E400] =	vst v63  }
0x2c: {  	s31 =	simm.s32 $0x3C00  }
0x2d: {  	[tilespmem:s31], [sflag:$0x1] =	stream.indirect_vreg.gather [hbm4b:s10+s4], $0x80, v3, vm0, $0xb8;
	[tilespmem:$0x1E400] =	vst v63  }
0x2e: {  	v3 =	vld [tilespmem:$0x10];
	_ =	sdelay $0x4  }
0x2f: {  	v61 =	vshll.u32 v3, $0x3  }
0x30: {  	v3 =	vand.u32 $0x7, v3;
	v4 =	vand.u32 $0xFFFFFFC0, v61  }
0x31: {  	v3 =	vor.u32 v3, v4  }
0x32: {  	v4 =	vperm.xlane v3, v0;
	_ =	sdelay $0x1  }
0x33: {  	v4 =	vadd.s32 v1, v4;
	_ =	sdelay $0x3  }
0x34: {  	s5 =	simm.s32 $0x4400  }
0x35: {  	[tilespmem:s5], [sflag:$0x1] =	stream.indirect_vreg.gather [hbm4b:s0+s4], $0x80, v4, vm0, $0xb8;
	[tilespmem:$0x1E400] =	vst v63  }
0x36: {  	s6 =	simm.s32 $0x4C00;
	v3 =	vperm.xlane v3, v2  }
0x37: {  	[tilespmem:s6], [sflag:$0x1] =	stream.indirect_vreg.gather [hbm4b:s1+s4], $0x80, v4, vm0, $0xb8;
	[tilespmem:$0x1E400] =	vst v63  }
0x38: {  	s7 =	simm.s32 $0x5400;
	v3 =	vadd.s32 v1, v3  }
0x39: {  	[tilespmem:s7], [sflag:$0x1] =	stream.indirect_vreg.gather [hbm4b:s2+s4], $0x80, v4, vm0, $0xb8;
	[tilespmem:$0x1E400] =	vst v63  }
0x3a: {  	s8 =	simm.s32 $0x5C00  }
0x3b: {  	[tilespmem:s8], [sflag:$0x1] =	stream.indirect_vreg.gather [hbm4b:s10+s4], $0x80, v4, vm0, $0xb8;
	[tilespmem:$0x1E400] =	vst v63  }
0x3c: {  	s9 =	simm.s32 $0x6400  }
0x3d: {  	[tilespmem:s9], [sflag:$0x1] =	stream.indirect_vreg.gather [hbm4b:s0+s4], $0x80, v3, vm0, $0xb8;
	[tilespmem:$0x1E400] =	vst v63  }
0x3e: {  	s11 =	simm.s32 $0x6C00  }
0x3f: {  	[tilespmem:s11], [sflag:$0x1] =	stream.indirect_vreg.gather [hbm4b:s1+s4], $0x80, v3, vm0, $0xb8;
	[tilespmem:$0x1E400] =	vst v63  }
0x40: {  	s12 =	simm.s32 $0x7400  }
0x41: {  	[tilespmem:s12], [sflag:$0x1] =	stream.indirect_vreg.gather [hbm4b:s2+s4], $0x80, v3, vm0, $0xb8;
	[tilespmem:$0x1E400] =	vst v63  }
0x42: {  	s13 =	simm.s32 $0x7C00  }
0x43: {  	[tilespmem:s13], [sflag:$0x1] =	stream.indirect_vreg.gather [hbm4b:s10+s4], $0x80, v3, vm0, $0xb8;
	[tilespmem:$0x1E400] =	vst v63  }
0x44: {  	s14 =	rddreg [dreg:$0xa];
	s5 =	simm.s32 $0x1A400  }
0x45: {  	[tilespmem:s5], [sflag:$0x5] =	stream.linear.gather [hbm4b:s14+s4], $0x2000, $0x38;
	[tilespmem:$0x1E400] =	vst v63  }
0x46: {  	v3 =	vld [tilespmem:$0x80];
	_ =	sdelay $0x4  }
0x47: {  	v62 =	vshll.u32 v3, $0x3  }
0x48: {  	v3 =	vand.u32 $0x7, v3;
	v4 =	vand.u32 $0xFFFFFFC0, v62  }
0x49: {  	v3 =	vor.u32 v3, v4  }
0x4a: {  	v4 =	vperm.xlane v3, v0;
	_ =	sdelay $0x1  }
0x4b: {  	v4 =	vadd.s32 v1, v4;
	_ =	sdelay $0x3  }
0x4c: {  	s15 =	simm.s32 $0x8400  }
0x4d: {  	[tilespmem:s15], [sflag:$0x2] =	stream.indirect_vreg.gather [hbm4b:s0+s4], $0x80, v4, vm0, $0xb8;
	[tilespmem:$0x1E400] =	vst v63  }
0x4e: {  	s16 =	simm.s32 $0x8C00;
	v3 =	vperm.xlane v3, v2  }
0x4f: {  	[tilespmem:s16], [sflag:$0x2] =	stream.indirect_vreg.gather [hbm4b:s1+s4], $0x80, v4, vm0, $0xb8;
	[tilespmem:$0x1E400] =	vst v63  }
0x50: {  	s17 =	simm.s32 $0x9400;
	v3 =	vadd.s32 v1, v3  }
0x51: {  	[tilespmem:s17], [sflag:$0x2] =	stream.indirect_vreg.gather [hbm4b:s2+s4], $0x80, v4, vm0, $0xb8;
	[tilespmem:$0x1E400] =	vst v63  }
0x52: {  	s18 =	simm.s32 $0x9C00  }
0x53: {  	[tilespmem:s18], [sflag:$0x2] =	stream.indirect_vreg.gather [hbm4b:s10+s4], $0x80, v4, vm0, $0xb8;
	[tilespmem:$0x1E400] =	vst v63  }
0x54: {  	s19 =	simm.s32 $0xA400  }
0x55: {  	[tilespmem:s19], [sflag:$0x2] =	stream.indirect_vreg.gather [hbm4b:s0+s4], $0x80, v3, vm0, $0xb8;
	[tilespmem:$0x1E400] =	vst v63  }
0x56: {  	s20 =	simm.s32 $0xAC00  }
0x57: {  	[tilespmem:s20], [sflag:$0x2] =	stream.indirect_vreg.gather [hbm4b:s1+s4], $0x80, v3, vm0, $0xb8;
	[tilespmem:$0x1E400] =	vst v63  }
0x58: {  	s21 =	simm.s32 $0xB400  }
0x59: {  	[tilespmem:s21], [sflag:$0x2] =	stream.indirect_vreg.gather [hbm4b:s2+s4], $0x80, v3, vm0, $0xb8;
	[tilespmem:$0x1E400] =	vst v63  }
0x5a: {  	s22 =	simm.s32 $0xBC00  }
0x5b: {  	[tilespmem:s22], [sflag:$0x2] =	stream.indirect_vreg.gather [hbm4b:s10+s4], $0x80, v3, vm0, $0xb8;
	[tilespmem:$0x1E400] =	vst v63  }
0x5c: {  	v3 =	vld [tilespmem:$0x90];
	_ =	sdelay $0x4  }
0x5d: {  	v63 =	vshll.u32 v3, $0x3  }
0x5e: {  	v3 =	vand.u32 $0x7, v3;
	v4 =	vand.u32 $0xFFFFFFC0, v63  }
0x5f: {  	v3 =	vor.u32 v3, v4  }
0x60: {  	v4 =	vperm.xlane v3, v0;
	_ =	sdelay $0x1  }
0x61: {  	v4 =	vadd.s32 v1, v4;
	_ =	sdelay $0x3  }
0x62: {  	s23 =	simm.s32 $0xC400  }
0x63: {  	[tilespmem:s23], [sflag:$0x2] =	stream.indirect_vreg.gather [hbm4b:s0+s4], $0x80, v4, vm0, $0xb8;
	[tilespmem:$0x1E400] =	vst v63  }
0x64: {  	s24 =	simm.s32 $0xCC00;
	v3 =	vperm.xlane v3, v2  }
0x65: {  	[tilespmem:s24], [sflag:$0x2] =	stream.indirect_vreg.gather [hbm4b:s1+s4], $0x80, v4, vm0, $0xb8;
	[tilespmem:$0x1E400] =	vst v63  }
0x66: {  	s25 =	simm.s32 $0xD400;
	v3 =	vadd.s32 v1, v3  }
0x67: {  	[tilespmem:s25], [sflag:$0x2] =	stream.indirect_vreg.gather [hbm4b:s2+s4], $0x80, v4, vm0, $0xb8;
	[tilespmem:$0x1E400] =	vst v63  }
0x68: {  	s26 =	simm.s32 $0xDC00  }
0x69: {  	[tilespmem:s26], [sflag:$0x2] =	stream.indirect_vreg.gather [hbm4b:s10+s4], $0x80, v4, vm0, $0xb8;
	[tilespmem:$0x1E400] =	vst v63  }
0x6a: {  	s28 =	simm.s32 $0xE400  }
0x6b: {  	[tilespmem:s28], [sflag:$0x2] =	stream.indirect_vreg.gather [hbm4b:s0+s4], $0x80, v3, vm0, $0xb8;
	[tilespmem:$0x1E400] =	vst v63  }
0x6c: {  	s29 =	simm.s32 $0xEC00  }
0x6d: {  	[tilespmem:s29], [sflag:$0x2] =	stream.indirect_vreg.gather [hbm4b:s1+s4], $0x80, v3, vm0, $0xb8;
	[tilespmem:$0x1E400] =	vst v63  }
0x6e: {  	s30 =	simm.s32 $0xF400  }
0x6f: {  	[tilespmem:s30], [sflag:$0x2] =	stream.indirect_vreg.gather [hbm4b:s2+s4], $0x80, v3, vm0, $0xb8;
	[tilespmem:$0x1E400] =	vst v63  }
0x70: {  	s31 =	simm.s32 $0xFC00;
	s23 =	simm.s32 $0x0  }
0x71: {  	[tilespmem:s31], [sflag:$0x2] =	stream.indirect_vreg.gather [hbm4b:s10+s4], $0x80, v3, vm0, $0xb8;
	[tilespmem:$0x1E400] =	vst v63  }
.LBB2_2:
0x72: {  	s0 =	smul.u32 $0xAB, s23;
	_ =	sdelay $0x1  }
0x73: {  	s5 =	sadd.s32 $0xFFFFFFFF, s23;
	s2 =	sadd.s32 $0x156, s0  }
0x74: {  	p0 =	sgt.u32 s5, $0x4;
	s2 =	sshrl.u32 s2, $0x9  }
.Ltmp0:
0x75: {  	s2 =	sand.u32 $0x7F, s2;
	(pc) =	sbr.rel @p0 .LBB2_4-.Ltmp0, $4  }
0x76: {  	s2 =	smul.u32 $0x3, s2  }
0x77: {  	s3 =	sadd.s32 $0x2, s23  }
0x78: {  	s2 =	ssub.s32 s3, s2  }
0x79: {  	s2 =	sand.u32 $0xFF, s2  }
0x7a: {  	s5 =	sadd.s32 $0x7, s2  }
0x7b: {  	_ =	swait.ge [sflag:s5], $0x2000  }
0x7c: {  	[sflag:s5] =	ssyncset.done $0x0  }
0x7d: {  	[sflag:s5] =	ssyncadd.s32 $0xFFFFE000  }
0x7e: {  	_ =	swait.ge [sflag:s5], $0x2000  }
0x7f: {  	[sflag:s5] =	ssyncset.done $0x0  }
0x80: {  	[sflag:s5] =	ssyncadd.s32 $0xFFFFE000  }
0x81: {  	_ =	swait.ge [sflag:s5], $0x2000  }
.Ltmp1:
0x82: {  	[sflag:s5] =	ssyncset.done $0x0;
	(pc) =	sbr.rel .LBB2_5-.Ltmp1, $4  }
0x83: {  	[sflag:s5] =	ssyncadd.s32 $0xFFFFE000  }
0x84: {  	_ =	swait.ge [sflag:s5], $0x2000  }
0x85: {  	[sflag:s5] =	ssyncset.done $0x0  }
0x86: {  	[sflag:s5] =	ssyncadd.s32 $0xFFFFE000  }
.LBB2_4:
0x87: {  	p0 =	sgt.u32 s23, $0x5  }
.Ltmp2:
0x88: {  	_ = 	snop;
	(pc) =	sbr.rel @p0 .LBB2_6-.Ltmp2, $1  }
0x89: {  	_ =	sdelay $0x3  }
.LBB2_5:
0x8a: {  	s5 =	sshll.u32 s2, $0xF;
	s7 =	sshll.u32 s3, $0xA;
	s11 =	sadd.s32 $0x4, s2  }
0x8b: {  	s1 =	rddreg [dreg:$0x7];
	s9 =	sshll.u32 s3, $0x7;
	s6 =	sshrl.u32 s5, $0x2  }
0x8c: {  	s7 =	sadd.s32 s7, s1;
	s3 =	sand.u32 $0x3FFFFF80, s9;
	s6 =	sadd.s32 $0x18400, s6  }
0x8d: {  	[tilespmem:s6], [sflag:s11] =	stream.linear.gather [hbm4b:s7+s4], $0x2000, $0x38;
	[tilespmem:$0x1E400] =	vst v63  }
0x8e: {  	v3 =	vld [tilespmem:s3+$0x0];
	_ =	sdelay $0x4  }
0x8f: {  	v4 =	vshll.u32 v3, $0x3  }
0x90: {  	v3 =	vand.u32 $0x7, v3;
	v4 =	vand.u32 $0xFFFFFFC0, v4  }
0x91: {  	v3 =	vor.u32 v3, v4  }
0x92: {  	v4 =	vperm.xlane v3, v0;
	_ =	sdelay $0x1  }
0x93: {  	v4 =	vadd.s32 v1, v4;
	_ =	sdelay $0x3  }
0x94: {  	s12 =	sadd.s32 $0x1, s2;
	s13 =	rddreg [dreg:$0x1];
	s11 =	sor.u32 $0x400, s5  }
0x95: {  	[tilespmem:s11], [sflag:s12] =	stream.indirect_vreg.gather [hbm4b:s13+s4], $0x80, v4, vm0, $0xb8;
	[tilespmem:$0x1E400] =	vst v63  }
0x96: {  	s15 =	rddreg [dreg:$0x8];
	s14 =	sor.u32 $0xC00, s5;
	v3 =	vperm.xlane v3, v2  }
0x97: {  	[tilespmem:s14], [sflag:s12] =	stream.indirect_vreg.gather [hbm4b:s15+s4], $0x80, v4, vm0, $0xb8;
	[tilespmem:$0x1E400] =	vst v63  }
0x98: {  	s8 =	rddreg [dreg:$0x9];
	s16 =	sor.u32 $0x1400, s5;
	v3 =	vadd.s32 v1, v3  }
0x99: {  	[tilespmem:s16], [sflag:s12] =	stream.indirect_vreg.gather [hbm4b:s8+s4], $0x80, v4, vm0, $0xb8;
	[tilespmem:$0x1E400] =	vst v63  }
0x9a: {  	s17 =	sor.u32 $0x1C00, s5  }
0x9b: {  	[tilespmem:s17], [sflag:s12] =	stream.indirect_vreg.gather [hbm4b:s10+s4], $0x80, v4, vm0, $0xb8;
	[tilespmem:$0x1E400] =	vst v63  }
0x9c: {  	s18 =	sor.u32 $0x2400, s5  }
0x9d: {  	[tilespmem:s18], [sflag:s12] =	stream.indirect_vreg.gather [hbm4b:s13+s4], $0x80, v3, vm0, $0xb8;
	[tilespmem:$0x1E400] =	vst v63  }
0x9e: {  	s19 =	sor.u32 $0x2C00, s5  }
0x9f: {  	[tilespmem:s19], [sflag:s12] =	stream.indirect_vreg.gather [hbm4b:s15+s4], $0x80, v3, vm0, $0xb8;
	[tilespmem:$0x1E400] =	vst v63  }
0xa0: {  	s20 =	sor.u32 $0x3400, s5  }
0xa1: {  	[tilespmem:s20], [sflag:s12] =	stream.indirect_vreg.gather [hbm4b:s8+s4], $0x80, v3, vm0, $0xb8;
	[tilespmem:$0x1E400] =	vst v63  }
0xa2: {  	s21 =	sor.u32 $0x3C00, s5  }
0xa3: {  	[tilespmem:s21], [sflag:s12] =	stream.indirect_vreg.gather [hbm4b:s10+s4], $0x80, v3, vm0, $0xb8;
	[tilespmem:$0x1E400] =	vst v63  }
0xa4: {  	v3 =	vld [tilespmem:s3+$0x10];
	_ =	sdelay $0x4  }
0xa5: {  	v63 =	vshll.u32 v3, $0x3  }
0xa6: {  	v3 =	vand.u32 $0x7, v3;
	v4 =	vand.u32 $0xFFFFFFC0, v63  }
0xa7: {  	v3 =	vor.u32 v3, v4  }
0xa8: {  	v4 =	vperm.xlane v3, v0;
	_ =	sdelay $0x1  }
0xa9: {  	v4 =	vadd.s32 v1, v4;
	_ =	sdelay $0x3  }
0xaa: {  	s22 =	sor.u32 $0x4400, s5  }
0xab: {  	[tilespmem:s22], [sflag:s12] =	stream.indirect_vreg.gather [hbm4b:s13+s4], $0x80, v4, vm0, $0xb8;
	[tilespmem:$0x1E400] =	vst v63  }
0xac: {  	s24 =	sor.u32 $0x4C00, s5;
	v3 =	vperm.xlane v3, v2  }
0xad: {  	[tilespmem:s24], [sflag:s12] =	stream.indirect_vreg.gather [hbm4b:s15+s4], $0x80, v4, vm0, $0xb8;
	[tilespmem:$0x1E400] =	vst v63  }
0xae: {  	s25 =	sor.u32 $0x5400, s5;
	v3 =	vadd.s32 v1, v3  }
0xaf: {  	[tilespmem:s25], [sflag:s12] =	stream.indirect_vreg.gather [hbm4b:s8+s4], $0x80, v4, vm0, $0xb8;
	[tilespmem:$0x1E400] =	vst v63  }
0xb0: {  	s26 =	sor.u32 $0x5C00, s5  }
0xb1: {  	[tilespmem:s26], [sflag:s12] =	stream.indirect_vreg.gather [hbm4b:s10+s4], $0x80, v4, vm0, $0xb8;
	[tilespmem:$0x1E400] =	vst v63  }
0xb2: {  	s28 =	sor.u32 $0x6400, s5  }
0xb3: {  	[tilespmem:s28], [sflag:s12] =	stream.indirect_vreg.gather [hbm4b:s13+s4], $0x80, v3, vm0, $0xb8;
	[tilespmem:$0x1E400] =	vst v63  }
0xb4: {  	s29 =	sor.u32 $0x6C00, s5  }
0xb5: {  	[tilespmem:s29], [sflag:s12] =	stream.indirect_vreg.gather [hbm4b:s15+s4], $0x80, v3, vm0, $0xb8;
	[tilespmem:$0x1E400] =	vst v63  }
0xb6: {  	s30 =	sor.u32 $0x7400, s5  }
0xb7: {  	[tilespmem:s30], [sflag:s12] =	stream.indirect_vreg.gather [hbm4b:s8+s4], $0x80, v3, vm0, $0xb8;
	[tilespmem:$0x1E400] =	vst v63  }
0xb8: {  	s31 =	sor.u32 $0x7C00, s5  }
0xb9: {  	[tilespmem:s31], [sflag:s12] =	stream.indirect_vreg.gather [hbm4b:s10+s4], $0x80, v3, vm0, $0xb8;
	[tilespmem:$0x1E400] =	vst v63  }
.LBB2_6:
0xba: {  	s0 =	sshrl.u32 s0, $0x9  }
0xbb: {  	s0 =	sand.u32 $0x7F, s0  }
0xbc: {  	s0 =	smul.u32 $0x3, s0;
	_ =	sdelay $0x1  }
0xbd: {  	s0 =	ssub.s32 s23, s0  }
0xbe: {  	s25 =	sand.u32 $0xFF, s0  }
0xbf: {  	s0 =	sadd.s32 $0x4, s25  }
0xc0: {  	s3 =	simm.s32 $0x0;
	_ =	swait.ge [sflag:s0], $0x2000  }
0xc1: {  	s11 =	sand.u32 $0x60, s3;
	s24 =	sshll.u32 s25, $0xF;
	[sflag:s0] =	ssyncset.done $0x0  }
0xc2: {  	s19 =	sadd.s32 $0x1, s25;
	s2 =	sshrl.u32 s24, $0x2;
	[sflag:s0] =	ssyncadd.s32 $0xFFFFE000  }
0xc3: {  	s20 =	sand.u32 $0x1C00, s3;
	s28 =	sadd.s32 $0x18400, s2;
	_ =	swait.ge [sflag:s19], $0x8000  }
0xc4: {  	s5 =	sor.u32 $0x10, s11;
	s3 =	sadd.s32 s20, s28;
	[sflag:s19] =	ssyncset.done $0x0  }
0xc5: {  	s21 =	sadd.s32 s5, s3;
	[sflag:s19] =	ssyncadd.s32 $0xFFFF8000  }
0xc6: {  	s16 =	sadd.s32 s11, s3;
	v3 =	vld [tilespmem:s21+$0x0]  }
0xc7: {  	v4 =	vld [tilespmem:s16+$0x0]  }
0xc8: {  	s26 =	sor.u32 $0x400, s24  }
0xc9: {  	s2 =	sadd.s32 s20, s26  }
0xca: {  	s12 =	sadd.s32 $0x2000, s2;
	s22 =	sadd.s32 s5, s2  }
0xcb: {  	s13 =	sadd.s32 $0x4000, s2;
	s14 =	sadd.s32 $0x6000, s2;
	s2 =	sadd.s32 s11, s2;
	[tilespmem:s22+$0x0] =	vst.add.f32.msk $0xffff, v3  }
0xcc: {  	s6 =	sadd.s32 s5, s12;
	[tilespmem:s2+$0x0] =	vst.add.f32.msk $0xffff, v4  }
0xcd: {  	s29 =	sadd.s32 s11, s12;
	[tilespmem:s6+$0x0] =	vst.add.f32.msk $0xffff, v3  }
0xce: {  	s7 =	sadd.s32 s5, s13;
	[tilespmem:s29+$0x0] =	vst.add.f32.msk $0xffff, v4  }
0xcf: {  	s30 =	sadd.s32 s11, s13;
	[tilespmem:s7+$0x0] =	vst.add.f32.msk $0xffff, v3  }
0xd0: {  	s5 =	sadd.s32 s5, s14;
	[tilespmem:s30+$0x0] =	vst.add.f32.msk $0xffff, v4  }
0xd1: {  	s31 =	sadd.s32 s11, s14;
	[tilespmem:s5+$0x0] =	vst.add.f32.msk $0xffff, v3  }
0xd2: {  	[tilespmem:s31+$0x0] =	vst.add.f32.msk $0xffff, v4  }
0xd3: {  	v3 =	vld [tilespmem:s21+$0x80]  }
0xd4: {  	v4 =	vld [tilespmem:s16+$0x80];
	_ =	sdelay $0x3  }
0xd5: {  	[tilespmem:s22+$0x80] =	vst.add.f32.msk $0xffff, v3  }
0xd6: {  	[tilespmem:s2+$0x80] =	vst.add.f32.msk $0xffff, v4  }
0xd7: {  	[tilespmem:s6+$0x80] =	vst.add.f32.msk $0xffff, v3  }
0xd8: {  	[tilespmem:s7+$0x80] =	vst.add.f32.msk $0xffff, v3  }
0xd9: {  	[tilespmem:s5+$0x80] =	vst.add.f32.msk $0xffff, v3  }
0xda: {  	v3 =	vld [tilespmem:s21+$0x100]  }
0xdb: {  	[tilespmem:s29+$0x80] =	vst.add.f32.msk $0xffff, v4  }
0xdc: {  	[tilespmem:s30+$0x80] =	vst.add.f32.msk $0xffff, v4  }
0xdd: {  	[tilespmem:s31+$0x80] =	vst.add.f32.msk $0xffff, v4  }
0xde: {  	v4 =	vld [tilespmem:s16+$0x100]  }
0xdf: {  	[tilespmem:s22+$0x100] =	vst.add.f32.msk $0xffff, v3  }
0xe0: {  	[tilespmem:s6+$0x100] =	vst.add.f32.msk $0xffff, v3  }
0xe1: {  	[tilespmem:s7+$0x100] =	vst.add.f32.msk $0xffff, v3  }
0xe2: {  	[tilespmem:s5+$0x100] =	vst.add.f32.msk $0xffff, v3  }
0xe3: {  	v3 =	vld [tilespmem:s21+$0x180];
	_ =	sdelay $0x3  }
0xe4: {  	[tilespmem:s2+$0x100] =	vst.add.f32.msk $0xffff, v4  }
0xe5: {  	[tilespmem:s22+$0x180] =	vst.add.f32.msk $0xffff, v3  }
0xe6: {  	[tilespmem:s6+$0x180] =	vst.add.f32.msk $0xffff, v3  }
0xe7: {  	[tilespmem:s7+$0x180] =	vst.add.f32.msk $0xffff, v3  }
0xe8: {  	[tilespmem:s5+$0x180] =	vst.add.f32.msk $0xffff, v3  }
0xe9: {  	v3 =	vld [tilespmem:s21+$0x200]  }
0xea: {  	[tilespmem:s29+$0x100] =	vst.add.f32.msk $0xffff, v4  }
0xeb: {  	[tilespmem:s30+$0x100] =	vst.add.f32.msk $0xffff, v4  }
0xec: {  	[tilespmem:s31+$0x100] =	vst.add.f32.msk $0xffff, v4  }
0xed: {  	v4 =	vld [tilespmem:s16+$0x180]  }
0xee: {  	[tilespmem:s22+$0x200] =	vst.add.f32.msk $0xffff, v3  }
0xef: {  	[tilespmem:s6+$0x200] =	vst.add.f32.msk $0xffff, v3  }
0xf0: {  	[tilespmem:s7+$0x200] =	vst.add.f32.msk $0xffff, v3  }
0xf1: {  	[tilespmem:s5+$0x200] =	vst.add.f32.msk $0xffff, v3  }
0xf2: {  	v3 =	vld [tilespmem:s21+$0x280];
	_ =	sdelay $0x3  }
0xf3: {  	[tilespmem:s2+$0x180] =	vst.add.f32.msk $0xffff, v4  }
0xf4: {  	[tilespmem:s22+$0x280] =	vst.add.f32.msk $0xffff, v3  }
0xf5: {  	[tilespmem:s6+$0x280] =	vst.add.f32.msk $0xffff, v3  }
0xf6: {  	[tilespmem:s7+$0x280] =	vst.add.f32.msk $0xffff, v3  }
0xf7: {  	[tilespmem:s5+$0x280] =	vst.add.f32.msk $0xffff, v3  }
0xf8: {  	v3 =	vld [tilespmem:s21+$0x300]  }
0xf9: {  	[tilespmem:s29+$0x180] =	vst.add.f32.msk $0xffff, v4  }
0xfa: {  	[tilespmem:s30+$0x180] =	vst.add.f32.msk $0xffff, v4  }
0xfb: {  	[tilespmem:s31+$0x180] =	vst.add.f32.msk $0xffff, v4  }
0xfc: {  	v4 =	vld [tilespmem:s16+$0x200]  }
0xfd: {  	[tilespmem:s22+$0x300] =	vst.add.f32.msk $0xffff, v3  }
0xfe: {  	[tilespmem:s6+$0x300] =	vst.add.f32.msk $0xffff, v3  }
0xff: {  	[tilespmem:s7+$0x300] =	vst.add.f32.msk $0xffff, v3  }
0x100: {  	[tilespmem:s5+$0x300] =	vst.add.f32.msk $0xffff, v3  }
0x101: {  	v3 =	vld [tilespmem:s21+$0x380]  }
0x102: {  	[tilespmem:s2+$0x200] =	vst.add.f32.msk $0xffff, v4  }
0x103: {  	[tilespmem:s29+$0x200] =	vst.add.f32.msk $0xffff, v4  }
0x104: {  	[tilespmem:s30+$0x200] =	vst.add.f32.msk $0xffff, v4  }
0x105: {  	[tilespmem:s31+$0x200] =	vst.add.f32.msk $0xffff, v4  }
0x106: {  	[tilespmem:s22+$0x380] =	vst.add.f32.msk $0xffff, v3  }
0x107: {  	s1 =	simm.s32 $0x100;
	[tilespmem:s6+$0x380] =	vst.add.f32.msk $0xffff, v3;
	s6 =	simm.s32 $0x20  }
0x108: {  	s9 =	sand.u32 $0x1C00, s1;
	v4 =	vld [tilespmem:s16+$0x280];
	s8 =	sand.u32 $0x60, s6  }
0x109: {  	s0 =	sadd.s32 s9, s28;
	[tilespmem:s7+$0x380] =	vst.add.f32.msk $0xffff, v3;
	s12 =	sor.u32 $0x10, s8  }
0x10a: {  	[tilespmem:s5+$0x380] =	vst.add.f32.msk $0xffff, v3;
	s13 =	sadd.s32 s12, s0  }
0x10b: {  	s0 =	sadd.s32 s8, s0;
	v3 =	vld [tilespmem:s13+$0x0]  }
0x10c: {  	v5 =	vld [tilespmem:s0+$0x0];
	_ =	sdelay $0x1  }
0x10d: {  	s17 =	sadd.s32 s9, s26;
	[tilespmem:s2+$0x280] =	vst.add.f32.msk $0xffff, v4  }
0x10e: {  	[tilespmem:s29+$0x280] =	vst.add.f32.msk $0xffff, v4;
	s6 =	sadd.s32 s12, s17  }
0x10f: {  	s15 =	sadd.s32 $0x2000, s17;
	s5 =	sadd.s32 s8, s17;
	[tilespmem:s6+$0x0] =	vst.add.f32.msk $0xffff, v3  }
0x110: {  	s18 =	sadd.s32 $0x4000, s17;
	s20 =	sadd.s32 s12, s15;
	[tilespmem:s5+$0x0] =	vst.add.f32.msk $0xffff, v5  }
0x111: {  	s19 =	sadd.s32 $0x6000, s17;
	s21 =	sadd.s32 s12, s18;
	[tilespmem:s20+$0x0] =	vst.add.f32.msk $0xffff, v3  }
0x112: {  	s22 =	sadd.s32 s12, s19;
	[tilespmem:s21+$0x0] =	vst.add.f32.msk $0xffff, v3  }
0x113: {  	[tilespmem:s22+$0x0] =	vst.add.f32.msk $0xffff, v3  }
0x114: {  	s17 =	sadd.s32 s8, s15;
	v3 =	vld [tilespmem:s13+$0x80]  }
0x115: {  	s18 =	sadd.s32 s8, s18;
	[tilespmem:s17+$0x0] =	vst.add.f32.msk $0xffff, v5  }
0x116: {  	s11 =	sadd.s32 s8, s19;
	[tilespmem:s18+$0x0] =	vst.add.f32.msk $0xffff, v5  }
0x117: {  	[tilespmem:s11+$0x0] =	vst.add.f32.msk $0xffff, v5  }
0x118: {  	v5 =	vld [tilespmem:s0+$0x80]  }
0x119: {  	[tilespmem:s6+$0x80] =	vst.add.f32.msk $0xffff, v3  }
0x11a: {  	[tilespmem:s20+$0x80] =	vst.add.f32.msk $0xffff, v3  }
0x11b: {  	[tilespmem:s21+$0x80] =	vst.add.f32.msk $0xffff, v3  }
0x11c: {  	[tilespmem:s22+$0x80] =	vst.add.f32.msk $0xffff, v3  }
0x11d: {  	v3 =	vld [tilespmem:s13+$0x100]  }
0x11e: {  	[tilespmem:s30+$0x280] =	vst.add.f32.msk $0xffff, v4  }
0x11f: {  	[tilespmem:s31+$0x280] =	vst.add.f32.msk $0xffff, v4  }
0x120: {  	v4 =	vld [tilespmem:s16+$0x300]  }
0x121: {  	[tilespmem:s5+$0x80] =	vst.add.f32.msk $0xffff, v5  }
0x122: {  	[tilespmem:s6+$0x100] =	vst.add.f32.msk $0xffff, v3  }
0x123: {  	[tilespmem:s20+$0x100] =	vst.add.f32.msk $0xffff, v3  }
0x124: {  	[tilespmem:s21+$0x100] =	vst.add.f32.msk $0xffff, v3  }
0x125: {  	[tilespmem:s22+$0x100] =	vst.add.f32.msk $0xffff, v3  }
0x126: {  	v3 =	vld [tilespmem:s13+$0x180]  }
0x127: {  	[tilespmem:s17+$0x80] =	vst.add.f32.msk $0xffff, v5  }
0x128: {  	[tilespmem:s18+$0x80] =	vst.add.f32.msk $0xffff, v5  }
0x129: {  	[tilespmem:s11+$0x80] =	vst.add.f32.msk $0xffff, v5  }
0x12a: {  	v5 =	vld [tilespmem:s0+$0x100]  }
0x12b: {  	[tilespmem:s6+$0x180] =	vst.add.f32.msk $0xffff, v3  }
0x12c: {  	[tilespmem:s20+$0x180] =	vst.add.f32.msk $0xffff, v3  }
0x12d: {  	[tilespmem:s21+$0x180] =	vst.add.f32.msk $0xffff, v3  }
0x12e: {  	[tilespmem:s22+$0x180] =	vst.add.f32.msk $0xffff, v3  }
0x12f: {  	v3 =	vld [tilespmem:s13+$0x200];
	_ =	sdelay $0x1  }
0x130: {  	[tilespmem:s2+$0x300] =	vst.add.f32.msk $0xffff, v4  }
0x131: {  	[tilespmem:s29+$0x300] =	vst.add.f32.msk $0xffff, v4  }
0x132: {  	[tilespmem:s5+$0x100] =	vst.add.f32.msk $0xffff, v5  }
0x133: {  	[tilespmem:s6+$0x200] =	vst.add.f32.msk $0xffff, v3  }
0x134: {  	[tilespmem:s20+$0x200] =	vst.add.f32.msk $0xffff, v3  }
0x135: {  	[tilespmem:s21+$0x200] =	vst.add.f32.msk $0xffff, v3  }
0x136: {  	[tilespmem:s22+$0x200] =	vst.add.f32.msk $0xffff, v3  }
0x137: {  	v3 =	vld [tilespmem:s13+$0x280]  }
0x138: {  	[tilespmem:s17+$0x100] =	vst.add.f32.msk $0xffff, v5  }
0x139: {  	[tilespmem:s18+$0x100] =	vst.add.f32.msk $0xffff, v5  }
0x13a: {  	[tilespmem:s11+$0x100] =	vst.add.f32.msk $0xffff, v5  }
0x13b: {  	v5 =	vld [tilespmem:s0+$0x180]  }
0x13c: {  	[tilespmem:s6+$0x280] =	vst.add.f32.msk $0xffff, v3  }
0x13d: {  	[tilespmem:s20+$0x280] =	vst.add.f32.msk $0xffff, v3  }
0x13e: {  	[tilespmem:s21+$0x280] =	vst.add.f32.msk $0xffff, v3  }
0x13f: {  	[tilespmem:s22+$0x280] =	vst.add.f32.msk $0xffff, v3  }
0x140: {  	v3 =	vld [tilespmem:s13+$0x300]  }
0x141: {  	[tilespmem:s30+$0x300] =	vst.add.f32.msk $0xffff, v4  }
0x142: {  	[tilespmem:s31+$0x300] =	vst.add.f32.msk $0xffff, v4  }
0x143: {  	v4 =	vld [tilespmem:s16+$0x380]  }
0x144: {  	[tilespmem:s5+$0x180] =	vst.add.f32.msk $0xffff, v5  }
0x145: {  	[tilespmem:s6+$0x300] =	vst.add.f32.msk $0xffff, v3  }
0x146: {  	[tilespmem:s20+$0x300] =	vst.add.f32.msk $0xffff, v3  }
0x147: {  	[tilespmem:s21+$0x300] =	vst.add.f32.msk $0xffff, v3  }
0x148: {  	[tilespmem:s22+$0x300] =	vst.add.f32.msk $0xffff, v3  }
0x149: {  	v3 =	vld [tilespmem:s13+$0x380]  }
0x14a: {  	[tilespmem:s17+$0x180] =	vst.add.f32.msk $0xffff, v5  }
0x14b: {  	[tilespmem:s18+$0x180] =	vst.add.f32.msk $0xffff, v5  }
0x14c: {  	[tilespmem:s11+$0x180] =	vst.add.f32.msk $0xffff, v5  }
0x14d: {  	v5 =	vld [tilespmem:s0+$0x200]  }
0x14e: {  	[tilespmem:s6+$0x380] =	vst.add.f32.msk $0xffff, v3  }
0x14f: {  	[tilespmem:s20+$0x380] =	vst.add.f32.msk $0xffff, v3  }
0x150: {  	[tilespmem:s21+$0x380] =	vst.add.f32.msk $0xffff, v3  }
0x151: {  	s16 =	simm.s32 $0x200;
	s15 =	simm.s32 $0x2;
	s19 =	simm.s32 $0x40;
	[tilespmem:s22+$0x380] =	vst.add.f32.msk $0xffff, v3  }
.LBB2_7:
0x152: {  	s13 =	sand.u32 $0x60, s19;
	s6 =	sand.u32 $0x1C00, s16;
	[tilespmem:s5+$0x200] =	vst.add.f32.msk $0xffff, v5;
	s20 =	smov.u32 s11  }
0x153: {  	s3 =	sadd.s32 s6, s28;
	s1 =	sor.u32 $0x10, s13;
	[tilespmem:s17+$0x200] =	vst.add.f32.msk $0xffff, v5  }
0x154: {  	s21 =	sadd.s32 s13, s3;
	s3 =	sadd.s32 s1, s3;
	[tilespmem:s18+$0x200] =	vst.add.f32.msk $0xffff, v5;
	v3 =	vmov v4  }
0x155: {  	v4 =	vld [tilespmem:s3+$0x0]  }
0x156: {  	v6 =	vld [tilespmem:s21+$0x0]  }
0x157: {  	[tilespmem:s20+$0x200] =	vst.add.f32.msk $0xffff, v5  }
0x158: {  	s11 =	sadd.s32 s6, s26;
	v5 =	vld [tilespmem:s0+$0x280]  }
0x159: {  	s8 =	sadd.s32 s13, s11;
	s6 =	sadd.s32 $0x2000, s11;
	s7 =	sadd.s32 s1, s11;
	[tilespmem:s2+$0x380] =	vst.add.f32.msk $0xffff, v3  }
0x15a: {  	s14 =	sadd.s32 s13, s6;
	s6 =	sadd.s32 s1, s6;
	s2 =	sadd.s32 $0x4000, s11;
	[tilespmem:s7+$0x0] =	vst.add.f32.msk $0xffff, v4  }
0x15b: {  	s9 =	sadd.s32 $0x6000, s11;
	s22 =	sadd.s32 s13, s2;
	s12 =	sadd.s32 s1, s2;
	[tilespmem:s6+$0x0] =	vst.add.f32.msk $0xffff, v4  }
0x15c: {  	s11 =	sadd.s32 s13, s9;
	s13 =	sadd.s32 s1, s9;
	s2 =	smov.u32 s5;
	[tilespmem:s12+$0x0] =	vst.add.f32.msk $0xffff, v4  }
0x15d: {  	s5 =	smov.u32 s8;
	[tilespmem:s13+$0x0] =	vst.add.f32.msk $0xffff, v4  }
0x15e: {  	v4 =	vld [tilespmem:s3+$0x80]  }
0x15f: {  	[tilespmem:s5+$0x0] =	vst.add.f32.msk $0xffff, v6  }
0x160: {  	[tilespmem:s14+$0x0] =	vst.add.f32.msk $0xffff, v6  }
0x161: {  	[tilespmem:s22+$0x0] =	vst.add.f32.msk $0xffff, v6  }
0x162: {  	[tilespmem:s11+$0x0] =	vst.add.f32.msk $0xffff, v6  }
0x163: {  	[tilespmem:s7+$0x80] =	vst.add.f32.msk $0xffff, v4  }
0x164: {  	[tilespmem:s6+$0x80] =	vst.add.f32.msk $0xffff, v4  }
0x165: {  	[tilespmem:s12+$0x80] =	vst.add.f32.msk $0xffff, v4  }
0x166: {  	[tilespmem:s13+$0x80] =	vst.add.f32.msk $0xffff, v4  }
0x167: {  	v4 =	vld [tilespmem:s3+$0x100]  }
0x168: {  	v6 =	vld [tilespmem:s21+$0x80]  }
0x169: {  	[tilespmem:s2+$0x280] =	vst.add.f32.msk $0xffff, v5  }
0x16a: {  	s15 =	sadd.s32 $0x2, s15;
	[tilespmem:s17+$0x280] =	vst.add.f32.msk $0xffff, v5  }
0x16b: {  	p0 =	slt.u32 s15, $0x3E;
	[tilespmem:s18+$0x280] =	vst.add.f32.msk $0xffff, v5  }
0x16c: {  	[tilespmem:s7+$0x100] =	vst.add.f32.msk $0xffff, v4  }
0x16d: {  	[tilespmem:s6+$0x100] =	vst.add.f32.msk $0xffff, v4  }
0x16e: {  	[tilespmem:s12+$0x100] =	vst.add.f32.msk $0xffff, v4  }
0x16f: {  	[tilespmem:s13+$0x100] =	vst.add.f32.msk $0xffff, v4  }
0x170: {  	v4 =	vld [tilespmem:s3+$0x180]  }
0x171: {  	[tilespmem:s5+$0x80] =	vst.add.f32.msk $0xffff, v6  }
0x172: {  	[tilespmem:s14+$0x80] =	vst.add.f32.msk $0xffff, v6  }
0x173: {  	[tilespmem:s22+$0x80] =	vst.add.f32.msk $0xffff, v6  }
0x174: {  	[tilespmem:s11+$0x80] =	vst.add.f32.msk $0xffff, v6  }
0x175: {  	[tilespmem:s7+$0x180] =	vst.add.f32.msk $0xffff, v4  }
0x176: {  	[tilespmem:s6+$0x180] =	vst.add.f32.msk $0xffff, v4  }
0x177: {  	[tilespmem:s12+$0x180] =	vst.add.f32.msk $0xffff, v4  }
0x178: {  	[tilespmem:s13+$0x180] =	vst.add.f32.msk $0xffff, v4  }
0x179: {  	v4 =	vld [tilespmem:s3+$0x200]  }
0x17a: {  	v6 =	vld [tilespmem:s21+$0x100]  }
0x17b: {  	[tilespmem:s20+$0x280] =	vst.add.f32.msk $0xffff, v5  }
0x17c: {  	v7 =	vld [tilespmem:s0+$0x300]  }
0x17d: {  	[tilespmem:s29+$0x380] =	vst.add.f32.msk $0xffff, v3;
	s29 =	smov.u32 s17;
	s17 =	smov.u32 s14  }
0x17e: {  	[tilespmem:s7+$0x200] =	vst.add.f32.msk $0xffff, v4  }
0x17f: {  	[tilespmem:s6+$0x200] =	vst.add.f32.msk $0xffff, v4  }
0x180: {  	[tilespmem:s12+$0x200] =	vst.add.f32.msk $0xffff, v4  }
0x181: {  	[tilespmem:s13+$0x200] =	vst.add.f32.msk $0xffff, v4  }
0x182: {  	v4 =	vld [tilespmem:s3+$0x280]  }
0x183: {  	[tilespmem:s5+$0x100] =	vst.add.f32.msk $0xffff, v6  }
0x184: {  	[tilespmem:s17+$0x100] =	vst.add.f32.msk $0xffff, v6  }
0x185: {  	[tilespmem:s22+$0x100] =	vst.add.f32.msk $0xffff, v6  }
0x186: {  	[tilespmem:s11+$0x100] =	vst.add.f32.msk $0xffff, v6  }
0x187: {  	[tilespmem:s7+$0x280] =	vst.add.f32.msk $0xffff, v4  }
0x188: {  	[tilespmem:s6+$0x280] =	vst.add.f32.msk $0xffff, v4  }
0x189: {  	[tilespmem:s12+$0x280] =	vst.add.f32.msk $0xffff, v4  }
0x18a: {  	[tilespmem:s13+$0x280] =	vst.add.f32.msk $0xffff, v4  }
0x18b: {  	v4 =	vld [tilespmem:s3+$0x300]  }
0x18c: {  	v5 =	vld [tilespmem:s21+$0x180]  }
0x18d: {  	[tilespmem:s2+$0x300] =	vst.add.f32.msk $0xffff, v7  }
0x18e: {  	[tilespmem:s29+$0x300] =	vst.add.f32.msk $0xffff, v7  }
0x18f: {  	[tilespmem:s18+$0x300] =	vst.add.f32.msk $0xffff, v7  }
0x190: {  	[tilespmem:s7+$0x300] =	vst.add.f32.msk $0xffff, v4  }
0x191: {  	[tilespmem:s6+$0x300] =	vst.add.f32.msk $0xffff, v4  }
0x192: {  	[tilespmem:s12+$0x300] =	vst.add.f32.msk $0xffff, v4  }
0x193: {  	[tilespmem:s13+$0x300] =	vst.add.f32.msk $0xffff, v4  }
0x194: {  	v4 =	vld [tilespmem:s3+$0x380]  }
0x195: {  	[tilespmem:s5+$0x180] =	vst.add.f32.msk $0xffff, v5  }
0x196: {  	[tilespmem:s17+$0x180] =	vst.add.f32.msk $0xffff, v5  }
0x197: {  	[tilespmem:s22+$0x180] =	vst.add.f32.msk $0xffff, v5  }
0x198: {  	[tilespmem:s11+$0x180] =	vst.add.f32.msk $0xffff, v5  }
0x199: {  	[tilespmem:s7+$0x380] =	vst.add.f32.msk $0xffff, v4  }
0x19a: {  	[tilespmem:s6+$0x380] =	vst.add.f32.msk $0xffff, v4  }
0x19b: {  	[tilespmem:s12+$0x380] =	vst.add.f32.msk $0xffff, v4  }
0x19c: {  	[tilespmem:s13+$0x380] =	vst.add.f32.msk $0xffff, v4  }
.Ltmp3:
0x19d: {  	v5 =	vld [tilespmem:s21+$0x200];
	(pc) =	sbr.rel @p0 .LBB2_7-.Ltmp3, $4  }
0x19e: {  	[tilespmem:s20+$0x300] =	vst.add.f32.msk $0xffff, v7  }
0x19f: {  	v4 =	vld [tilespmem:s0+$0x380];
	s0 =	smov.u32 s21  }
0x1a0: {  	[tilespmem:s30+$0x380] =	vst.add.f32.msk $0xffff, v3;
	s30 =	smov.u32 s18;
	s18 =	smov.u32 s22  }
0x1a1: {  	s16 =	sadd.s32 $0x100, s16;
	s19 =	sadd.s32 $0x20, s19;
	[tilespmem:s31+$0x380] =	vst.add.f32.msk $0xffff, v3;
	s31 =	smov.u32 s20  }
0x1a2: {  	[tilespmem:s5+$0x200] =	vst.add.f32.msk $0xffff, v5  }
0x1a3: {  	[tilespmem:s17+$0x200] =	vst.add.f32.msk $0xffff, v5  }
0x1a4: {  	[tilespmem:s18+$0x200] =	vst.add.f32.msk $0xffff, v5  }
0x1a5: {  	[tilespmem:s11+$0x200] =	vst.add.f32.msk $0xffff, v5  }
0x1a6: {  	v3 =	vld [tilespmem:s0+$0x280];
	_ =	sdelay $0x4  }
0x1a7: {  	[tilespmem:s5+$0x280] =	vst.add.f32.msk $0xffff, v3  }
0x1a8: {  	[tilespmem:s17+$0x280] =	vst.add.f32.msk $0xffff, v3  }
0x1a9: {  	[tilespmem:s18+$0x280] =	vst.add.f32.msk $0xffff, v3  }
0x1aa: {  	[tilespmem:s11+$0x280] =	vst.add.f32.msk $0xffff, v3  }
0x1ab: {  	v3 =	vld [tilespmem:s0+$0x300];
	_ =	sdelay $0x4  }
0x1ac: {  	[tilespmem:s5+$0x300] =	vst.add.f32.msk $0xffff, v3  }
0x1ad: {  	[tilespmem:s17+$0x300] =	vst.add.f32.msk $0xffff, v3  }
0x1ae: {  	[tilespmem:s18+$0x300] =	vst.add.f32.msk $0xffff, v3  }
0x1af: {  	[tilespmem:s11+$0x300] =	vst.add.f32.msk $0xffff, v3  }
0x1b0: {  	v3 =	vld [tilespmem:s0+$0x380]  }
0x1b1: {  	[tilespmem:s2+$0x380] =	vst.add.f32.msk $0xffff, v4  }
0x1b2: {  	[tilespmem:s29+$0x380] =	vst.add.f32.msk $0xffff, v4  }
0x1b3: {  	[tilespmem:s30+$0x380] =	vst.add.f32.msk $0xffff, v4  }
0x1b4: {  	[tilespmem:s31+$0x380] =	vst.add.f32.msk $0xffff, v4  }
0x1b5: {  	[tilespmem:s5+$0x380] =	vst.add.f32.msk $0xffff, v3  }
0x1b6: {  	[tilespmem:s17+$0x380] =	vst.add.f32.msk $0xffff, v3  }
0x1b7: {  	[tilespmem:s18+$0x380] =	vst.add.f32.msk $0xffff, v3  }
0x1b8: {  	s21 =	sshll.u32 s23, $0xA;
	s1 =	rddreg [dreg:$0x6]  }
0x1b9: {  	s22 =	sadd.s32 $0x7, s25;
	s25 =	rddreg [dreg:$0x3];
	s0 =	sadd.s32 s1, s21  }
0x1ba: {  	[tilespmem:s11+$0x380] =	vst.add.f32.msk $0xffff, v3;
	s2 =	sadd.s32 s25, s0  }
0x1bb: {  	[hbm4b:s2+s4] =	stream.linear.scatter [tilespmem:s26], [sflag:s22], $0x2000, $0x38;
	[tilespmem:$0x1E400] =	vst v63  }
0x1bc: {  	s23 =	sadd.s32 $0x1, s23;
	s26 =	rddreg [dreg:$0xb]  }
0x1bd: {  	s3 =	sor.u32 $0x2400, s24;
	p0 =	sne.s32 s23, $0x8;
	s2 =	sadd.s32 s0, s26  }
0x1be: {  	[hbm4b:s2+s4] =	stream.linear.scatter [tilespmem:s3], [sflag:s22], $0x2000, $0x38;
	[tilespmem:$0x1E400] =	vst v63  }
.Ltmp4:
0x1bf: {  	s28 =	rddreg [dreg:$0xc];
	(pc) =	sbr.rel @p0 .LBB2_2-.Ltmp4, $4  }
0x1c0: {  	s29 =	sor.u32 $0x4400, s24;
	s30 =	rddreg [dreg:$0xd];
	s2 =	sadd.s32 s0, s28  }
0x1c1: {  	[hbm4b:s2+s4] =	stream.linear.scatter [tilespmem:s29], [sflag:s22], $0x2000, $0x38;
	[tilespmem:$0x1E400] =	vst v63  }
0x1c2: {  	s31 =	sor.u32 $0x6400, s24;
	s0 =	sadd.s32 s0, s30  }
0x1c3: {  	[hbm4b:s0+s4] =	stream.linear.scatter [tilespmem:s31], [sflag:s22], $0x2000, $0x38;
	[tilespmem:$0x1E400] =	vst v63  }
0x1c4: {  	s0 =	simm.s32 $0x9  }
0x1c5: {  	_ =	swait.ge [sflag:s0], $0x2000  }
0x1c6: {  	[sflag:s0] =	ssyncset.done $0x0  }
0x1c7: {  	[sflag:s0] =	ssyncadd.s32 $0xFFFFE000  }
0x1c8: {  	_ =	swait.ge [sflag:s0], $0x2000  }
0x1c9: {  	[sflag:s0] =	ssyncset.done $0x0  }
0x1ca: {  	[sflag:s0] =	ssyncadd.s32 $0xFFFFE000  }
0x1cb: {  	_ =	swait.ge [sflag:s0], $0x2000  }
0x1cc: {  	[sflag:s0] =	ssyncset.done $0x0  }
0x1cd: {  	[sflag:s0] =	ssyncadd.s32 $0xFFFFE000  }
0x1ce: {  	_ =	swait.ge [sflag:s0], $0x2000  }
0x1cf: {  	[sflag:s0] =	ssyncset.done $0x0  }
0x1d0: {  	s30 =	simm.s32 $0x7;
	[sflag:s0] =	ssyncadd.s32 $0xFFFFE000  }
0x1d1: {  	_ =	swait.ge [sflag:s30], $0x2000  }
0x1d2: {  	[sflag:s30] =	ssyncset.done $0x0  }
0x1d3: {  	[sflag:s30] =	ssyncadd.s32 $0xFFFFE000  }
0x1d4: {  	_ =	swait.ge [sflag:s30], $0x2000  }
0x1d5: {  	[sflag:s30] =	ssyncset.done $0x0  }
0x1d6: {  	[sflag:s30] =	ssyncadd.s32 $0xFFFFE000  }
0x1d7: {  	_ =	swait.ge [sflag:s30], $0x2000  }
0x1d8: {  	[sflag:s30] =	ssyncset.done $0x0  }
0x1d9: {  	[sflag:s30] =	ssyncadd.s32 $0xFFFFE000  }
0x1da: {  	_ =	swait.ge [sflag:s30], $0x2000  }
0x1db: {  	[sflag:s30] =	ssyncset.done $0x0  }
0x1dc: {  	s1 =	simm.s32 $0x8;
	[sflag:s30] =	ssyncadd.s32 $0xFFFFE000  }
0x1dd: {  	_ =	swait.ge [sflag:s1], $0x2000  }
0x1de: {  	[sflag:s1] =	ssyncset.done $0x0  }
0x1df: {  	[sflag:s1] =	ssyncadd.s32 $0xFFFFE000  }
0x1e0: {  	_ =	swait.ge [sflag:s1], $0x2000  }
0x1e1: {  	[sflag:s1] =	ssyncset.done $0x0  }
0x1e2: {  	[sflag:s1] =	ssyncadd.s32 $0xFFFFE000  }
0x1e3: {  	_ =	swait.ge [sflag:s1], $0x2000  }
0x1e4: {  	[sflag:s1] =	ssyncset.done $0x0  }
0x1e5: {  	[sflag:s1] =	ssyncadd.s32 $0xFFFFE000  }
0x1e6: {  	_ =	swait.ge [sflag:s1], $0x2000  }
0x1e7: {  	s2 =	rddreg [dreg:$0xf]  }
0x1e8: {  	s31 =	rddreg [dreg:$0xe];
	s2 =	sadd.s32 $0x1, s2  }
0x1e9: {  	p0 =	sne.s32 s2, s31  }
.Ltmp5:
0x1ea: {  	_ = 	snop;
	(pc) =	sbr.rel @p0 .LBB2_1-.Ltmp5, $3  }
0x1eb: {  	_ =	sdelay $0x1  }
0x1ec: {  	[sflag:s1] =	ssyncset.done $0x0  }
0x1ed: {  	[sflag:s1] =	ssyncadd.s32 $0xFFFFE000  }
0x1ee: {  	_ =	sfence.sel $0x180000  }
0x1ef: {  	[bflag:$0x0] =	sbarrier.arrive $0xFFFF  }
0x1f0: {  	_ =	strace $0x90000047  }
0x1f1: {  	s0 =	stileid.u32;
	[bflag:$0x2] =	sbarrier.arrive $0xFFFF  }
0x1f2: {  	p0 =	sne.s32 s0, $0x0;
	s0 =	rddreg [dreg:$0x4]  }
0x1f3: {  	s0 =	sadd.s32 @!p0 $0x100000, s0  }
0x1f4: {  	[sflag:s0] =	ssyncadd.tile.s32 @!p0 $0x1;
	_ =	shalt  }
.Lfunc_end2:
_tile_overlayer_lowered:
.L_overlay_start_2:
0x1f5: {  	(tag) =	ssettag $0x2  }
0x1f6: {  	s0 =	rddreg [dreg:$0x0];
	s2 =	stileid.u32  }
0x1f7: {  	s1 =	rddreg [dreg:$0x1];
	p0 =	sne.s32 s2, $0x0  }
0x1f8: {  	s3 =	rddreg [dreg:$0x2];
	[bflag:$0x3] =	sbarrier.arrive $0xFFFF;
	s2 =	simm.s32 @!p0 $0x1C0A  }
0x1f9: {  	[timem:s3], [sflag:s2] =	dma.local @!p0 [hbm:s0], s1  }
0x1fa: {  	s0 =	simm.s32 @!p0 $0xA  }
0x1fb: {  	_ =	swait.ge @!p0 [sflag:s0], s1  }
0x1fc: {  	s1 =	ssub.s32 @!p0 $0x0, s1;
	[sflag:s0] =	ssyncset.done @!p0 $0x0  }
0x1fd: {  	[sflag:s0] =	ssyncadd.s32 @!p0 s1  }
0x1fe: {  	[bflag:$0x3] =	sbarrier.arrive $0xFFFF  }
0x1ff: {  	_ =	shalt  }

</sc_bundles>
